<compile_context>
chip_gen: v7x
topology: tpu7x:2x2x1
jax: 0.10.2.dev20260603
libtpu: 0.0.44.dev20260713+nightly
codegen_flags: <defaults>
</compile_context>

<pallas_src>
import functools

import jax
import jax.numpy as jnp
from jax import lax
from jax.experimental import pallas as pl
from jax.experimental.pallas import tpu as pltpu
from jax.experimental.pallas import tpu_sc as plsc

N = 10000
E = 320000
D = 128
N_STEPS = 2
N_ETYPES = 4


_BN = 2000


def _msg_body(h_ref, w_ref, b_ref, out_ref):
    h = h_ref[...]
    for e in range(N_ETYPES):
        out_ref[e] = (
            jnp.dot(h, w_ref[e], preferred_element_type=jnp.float32)
            + b_ref[e]
        )


def _msg_table(h, ws_t, bs):
    return pl.pallas_call(
        _msg_body,
        grid=(N // _BN,),
        in_specs=[
            pl.BlockSpec((_BN, D), lambda nb: (nb, 0)),
            pl.BlockSpec((N_ETYPES, D, D), lambda nb: (0, 0, 0)),
            pl.BlockSpec((N_ETYPES, 1, D), lambda nb: (0, 0, 0)),
        ],
        out_specs=pl.BlockSpec((N_ETYPES, _BN, D), lambda nb: (0, nb, 0)),
        out_shape=jax.ShapeDtypeStruct((N_ETYPES, N, D), jnp.float32),
    )(h, ws_t, bs)




def _gru_body(p_ref, h_ref, wih_ref, whh_ref, bih_ref, bhh_ref, out_ref):
    a = p_ref[0] + p_ref[1]
    h = h_ref[...]
    gi = jnp.dot(a, wih_ref[...], preferred_element_type=jnp.float32) + bih_ref[0][None, :]
    gh = jnp.dot(h, whh_ref[...], preferred_element_type=jnp.float32) + bhh_ref[0][None, :]
    r = jax.nn.sigmoid(gi[:, :D] + gh[:, :D])
    z = jax.nn.sigmoid(gi[:, D : 2 * D] + gh[:, D : 2 * D])
    n = jnp.tanh(gi[:, 2 * D :] + r * gh[:, 2 * D :])
    out_ref[...] = (1.0 - z) * n + z * h


def _gru(parts, h, wih_t, whh_t, bih, bhh):
    return pl.pallas_call(
        _gru_body,
        grid=(N // _BN,),
        in_specs=[
            pl.BlockSpec((2, _BN, D), lambda nb: (0, nb, 0)),
            pl.BlockSpec((_BN, D), lambda nb: (nb, 0)),
            pl.BlockSpec((D, 3 * D), lambda nb: (0, 0)),
            pl.BlockSpec((D, 3 * D), lambda nb: (0, 0)),
            pl.BlockSpec((1, 3 * D), lambda nb: (0, 0)),
            pl.BlockSpec((1, 3 * D), lambda nb: (0, 0)),
        ],
        out_specs=pl.BlockSpec((_BN, D), lambda nb: (nb, 0)),
        out_shape=jax.ShapeDtypeStruct((N, D), jnp.float32),
    )(parts, h, wih_t, whh_t, bih, bhh)




def _gru_msg_body(p_ref, h_ref, wih_ref, whh_ref, bih_ref, bhh_ref,
                  wst_ref, bs_ref, hout_ref, tout_ref):
    a = p_ref[0] + p_ref[1]
    h = h_ref[...]
    gi = jnp.dot(a, wih_ref[...], preferred_element_type=jnp.float32) + bih_ref[0][None, :]
    gh = jnp.dot(h, whh_ref[...], preferred_element_type=jnp.float32) + bhh_ref[0][None, :]
    r = jax.nn.sigmoid(gi[:, :D] + gh[:, :D])
    z = jax.nn.sigmoid(gi[:, D : 2 * D] + gh[:, D : 2 * D])
    n = jnp.tanh(gi[:, 2 * D :] + r * gh[:, 2 * D :])
    hn = (1.0 - z) * n + z * h
    hout_ref[...] = hn
    for e in range(N_ETYPES):
        tout_ref[e] = (
            jnp.dot(hn, wst_ref[e], preferred_element_type=jnp.float32)
            + bs_ref[e]
        )


def _gru_msg(parts, h, wih_t, whh_t, bih, bhh, ws_t, bs):
    return pl.pallas_call(
        _gru_msg_body,
        grid=(N // _BN,),
        in_specs=[
            pl.BlockSpec((2, _BN, D), lambda nb: (0, nb, 0)),
            pl.BlockSpec((_BN, D), lambda nb: (nb, 0)),
            pl.BlockSpec((D, 3 * D), lambda nb: (0, 0)),
            pl.BlockSpec((D, 3 * D), lambda nb: (0, 0)),
            pl.BlockSpec((1, 3 * D), lambda nb: (0, 0)),
            pl.BlockSpec((1, 3 * D), lambda nb: (0, 0)),
            pl.BlockSpec((N_ETYPES, D, D), lambda nb: (0, 0, 0)),
            pl.BlockSpec((N_ETYPES, 1, D), lambda nb: (0, 0, 0)),
        ],
        out_specs=[
            pl.BlockSpec((_BN, D), lambda nb: (nb, 0)),
            pl.BlockSpec((N_ETYPES, _BN, D), lambda nb: (0, nb, 0)),
        ],
        out_shape=[
            jax.ShapeDtypeStruct((N, D), jnp.float32),
            jax.ShapeDtypeStruct((N_ETYPES, N, D), jnp.float32),
        ],
    )(parts, h, wih_t, whh_t, bih, bhh, ws_t, bs)



_NC = 2
_NS = 16
_NW = _NC * _NS
_EPW = E // _NW
_C = 80
_NCH = _EPW // _C
_NPAD = 10112
_RPS = _NPAD // _NS


_NB = 3
_NFULL = (_NCH // _NB) * _NB
_NTAIL = _NCH - _NFULL


@functools.cache
def _sc_aggregate_kernel():
    mesh = plsc.VectorSubcoreMesh(core_axis_name="c", subcore_axis_name="s")
    scratch = [
        pltpu.VMEM((_EPW,), jnp.int32),
        pltpu.VMEM_SHARED((_NPAD, D), jnp.float32),
    ]
    scratch += [pltpu.VMEM((1, _C), jnp.int32) for _ in range(_NB)]
    scratch += [pltpu.VMEM((_C, D), jnp.float32) for _ in range(_NB)]
    scratch += [pltpu.SemaphoreType.DMA for _ in range(3 * _NB)]
    return pl.kernel(
        _sc_aggregate_body,
        out_type=jax.ShapeDtypeStruct((_NC, _NS, _RPS, D), jnp.float32),
        mesh=mesh,
        scratch_types=scratch,
    )


def _sc_aggregate_body(whall, gidx, dst, zrows, out, idx_v, acc, *rest):
    dbuf = rest[:_NB]
    rows = rest[_NB : 2 * _NB]
    gsem = rest[2 * _NB : 3 * _NB]
    ssem = rest[3 * _NB : 4 * _NB]
    dsem = rest[4 * _NB : 5 * _NB]
    c = lax.axis_index("c")
    s = lax.axis_index("s")
    wid = c * _NS + s

    pltpu.sync_copy(gidx.at[pl.ds(wid * _EPW, _EPW)], idx_v)

    row0 = s * _RPS
    pltpu.sync_copy(zrows, acc.at[pl.ds(row0, _RPS)])
    plsc.subcore_barrier()

    def _gwait(b):
        pltpu.make_async_copy(whall.at[pl.ds(0, _C)], rows[b], gsem[b]).wait()

    def _swait(b):
        pltpu.make_async_copy(whall.at[pl.ds(0, _C)], rows[b], ssem[b]).wait()

    def _dwait(b):
        pltpu.make_async_copy(dst.at[0], dbuf[b], dsem[b]).wait()

    cbase = wid * _NCH
    for b in range(_NB):
        pltpu.async_copy(dst.at[cbase + b], dbuf[b], dsem[b])
        pltpu.async_copy(
            whall.at[idx_v.at[pl.ds(b * _C, _C)]], rows[b], gsem[b]
        )

    def _ring(g, _):
        t0 = g * _NB
        for b in range(_NB):
            _gwait(b)
            _dwait(b)
            pltpu.async_copy(rows[b], acc.at[dbuf[b].at[0]], ssem[b], add=True)
        for b in range(_NB):
            t = t0 + b
            _swait(b)

            @pl.when(t + _NB < _NCH)
            def _():
                pltpu.async_copy(
                    whall.at[idx_v.at[pl.ds((t + _NB) * _C, _C)]], rows[b], gsem[b]
                )
                pltpu.async_copy(dst.at[cbase + t + _NB], dbuf[b], dsem[b])

        return 0

    lax.fori_loop(0, _NCH // _NB, _ring, 0)

    for b in range(_NTAIL):
        _gwait(b)
        _dwait(b)
        pltpu.async_copy(rows[b], acc.at[dbuf[b].at[0]], ssem[b], add=True)
    for b in range(_NTAIL):
        _swait(b)
    plsc.subcore_barrier()

    pltpu.sync_copy(acc.at[pl.ds(row0, _RPS)], out.at[c, s])


_WHALL_SHAPE = (N_ETYPES * N, D)
_GIDX_SHAPE = (E,)
_DST_SHAPE = (_NW * _NCH, 1, _C)
_ZROWS_SHAPE = (_RPS, D)




def kernel(x, edge_index, etypes, Ws, bs, W_ih, W_hh, b_ih, b_hh):
    src = edge_index[0].astype(jnp.int32)
    dst = edge_index[1].astype(jnp.int32).reshape(_DST_SHAPE)
    gidx = etypes.astype(jnp.int32) * N + src
    ws_t = jnp.swapaxes(Ws, 1, 2)
    wih_t = W_ih.T
    whh_t = W_hh.T
    bs3 = bs.reshape(N_ETYPES, 1, D)
    bih = b_ih.reshape(1, 3 * D)
    bhh = b_hh.reshape(1, 3 * D)
    zrows = jnp.zeros(_ZROWS_SHAPE, jnp.float32)

    whall = _msg_table(x, ws_t, bs3).reshape(N_ETYPES * N, D)
    h = x
    for step in range(N_STEPS):
        parts = _sc_aggregate_kernel()(whall, gidx, dst, zrows)
        parts = parts.reshape(_NC, _NPAD, D)
        if step < N_STEPS - 1:
            h, whall = _gru_msg(parts, h, wih_t, whh_t, bih, bhh, ws_t, bs3)
            whall = whall.reshape(N_ETYPES * N, D)
        else:
            h = _gru(parts, h, wih_t, whh_t, bih, bhh)
    return h

# --- scband reference (transcript-rebuilt; emitter-appended) ---
"""Pipeline reference for scband-gated-graph-conv-3272765080007 (READ-ONLY COPY).

The authoritative reference and input builder live on the scoring server;
editing this copy changes nothing except your own understanding.
"""

import jax, jax.numpy as jnp
import numpy as np

N = 10000
E = 320000
D = 128
N_STEPS = 2
N_ETYPES = 4


def setup_inputs(seed: int = 0):
    key = jax.random.key(seed)
    ks = jax.random.split(key, 9)
    x = jax.random.normal(ks[0], (N, D), dtype=jnp.float32)
    edge_index = jax.random.randint(ks[1], (2, E), 0, N)
    etypes = jax.random.randint(ks[2], (E,), 0, N_ETYPES)
    s = 1.0 / np.sqrt(D)
    Ws = jax.random.normal(ks[3], (N_ETYPES, D, D), dtype=jnp.float32) * s
    bs = jnp.zeros((N_ETYPES, D), dtype=jnp.float32)
    W_ih = jax.random.uniform(ks[4], (3 * D, D), dtype=jnp.float32, minval=-s, maxval=s)
    W_hh = jax.random.uniform(ks[5], (3 * D, D), dtype=jnp.float32, minval=-s, maxval=s)
    b_ih = jax.random.uniform(ks[6], (3 * D,), dtype=jnp.float32, minval=-s, maxval=s)
    b_hh = jax.random.uniform(ks[7], (3 * D,), dtype=jnp.float32, minval=-s, maxval=s)
    return {"x": x, "edge_index": edge_index, "etypes": etypes, "Ws": Ws, "bs": bs,
            "W_ih": W_ih, "W_hh": W_hh, "b_ih": b_ih, "b_hh": b_hh}


def reference(x, edge_index, etypes, Ws, bs, W_ih, W_hh, b_ih, b_hh):
    src = edge_index[0]
    dst = edge_index[1]
    h = x
    for _ in range(N_STEPS):
        # per-edge-type message: W_{e_ij} h_j ; linear is applied to source features,
        # so transform at node level then gather (mathematically identical to per-edge apply)
        msg = jnp.zeros((E, D), dtype=h.dtype)
        for i in range(N_ETYPES):
            Wh = h @ Ws[i].T + bs[i]            # [N, D]
            mask = (etypes == i)[:, None].astype(h.dtype)
            msg = msg + mask * Wh[src]          # gather over edges
        # sum aggregation over incoming edges
        a = jax.ops.segment_sum(msg, dst, num_segments=N)
        # GRUCell(a, h)
        gi = a @ W_ih.T + b_ih
        gh = h @ W_hh.T + b_hh
        i_r, i_z, i_n = jnp.split(gi, 3, axis=1)
        h_r, h_z, h_n = jnp.split(gh, 3, axis=1)
        r = jax.nn.sigmoid(i_r + h_r)
        z = jax.nn.sigmoid(i_z + h_z)
        n = jnp.tanh(i_n + r * h_n)
        h = (1.0 - z) * n + z * h
    return h

if __name__ == "__main__":
    import jax
    _d = setup_inputs()
    print(jax.jit(kernel)(*tuple(_d.values())))

</pallas_src>

<mosaic_0001>
#map = affine_map<(d0, d1) -> (0, 0)>
#map1 = affine_map<(d0, d1) -> (0)>
#map2 = affine_map<(d0, d1) -> (0, 0, 0)>
#map3 = affine_map<(d0, d1) -> (0, 0, 0, 0)>
module attributes {stable_mosaic.version = 14 : i64} {
  func.func @_sc_aggregate_body(%arg0: i32, %arg1: i32, %arg2: memref<40000x128xf32, #tpu.memory_space<hbm>>, %arg3: memref<320000xi32, #tpu.memory_space<hbm>>, %arg4: memref<4000x1x80xi32, #tpu.memory_space<hbm>>, %arg5: memref<632x128xf32, #tpu.memory_space<hbm>>, %arg6: memref<2x16x632x128xf32, #tpu.memory_space<hbm>>, %arg7: memref<10000xi32, #tpu.memory_space<vmem>>, %arg8: memref<10112x128xf32, #tpu.memory_space<vmem_shared>>, %arg9: memref<1x80xi32, #tpu.memory_space<vmem>>, %arg10: memref<1x80xi32, #tpu.memory_space<vmem>>, %arg11: memref<1x80xi32, #tpu.memory_space<vmem>>, %arg12: memref<80x128xf32, #tpu.memory_space<vmem>>, %arg13: memref<80x128xf32, #tpu.memory_space<vmem>>, %arg14: memref<80x128xf32, #tpu.memory_space<vmem>>, %arg15: memref<!tpu.dma_semaphore, #tpu.memory_space<semaphore_mem>>, %arg16: memref<!tpu.dma_semaphore, #tpu.memory_space<semaphore_mem>>, %arg17: memref<!tpu.dma_semaphore, #tpu.memory_space<semaphore_mem>>, %arg18: memref<!tpu.dma_semaphore, #tpu.memory_space<semaphore_mem>>, %arg19: memref<!tpu.dma_semaphore, #tpu.memory_space<semaphore_mem>>, %arg20: memref<!tpu.dma_semaphore, #tpu.memory_space<semaphore_mem>>, %arg21: memref<!tpu.dma_semaphore, #tpu.memory_space<semaphore_mem>>, %arg22: memref<!tpu.dma_semaphore, #tpu.memory_space<semaphore_mem>>, %arg23: memref<!tpu.dma_semaphore, #tpu.memory_space<semaphore_mem>>) attributes {dimension_semantics = [#tpu.dimension_semantics<core_parallel>, #tpu.dimension_semantics<subcore_parallel>], iteration_bounds = array<i64: 2, 16>, scalar_prefetch = 0 : i64, scratch_operands = 17 : i64, tpu.core_type = #tpu.core_type<sc_vector_subcore>, window_params = [{transform_indices = #map}, {transform_indices = #map1}, {transform_indices = #map2}, {transform_indices = #map}, {transform_indices = #map3}]} {
    %mul3A = arith.constant 16 : i32
    %mul3A_0 = arith.muli %arg0, %mul3A : i32
    %add3A = arith.addi %mul3A_0, %arg1 : i32
    %mul3A_1 = arith.constant 10000 : i32
    %mul3A_2 = arith.muli %add3A, %mul3A_1 : i32
    "tpu.region"() ({
      %run_scoped3A = tpu.sem_alloc : memref<!tpu.dma_semaphore, #tpu.memory_space<semaphore_mem>>
      %dma_start3A_113 = tpu.memref_slice %arg3[%mul3A_2] : memref<320000xi32, #tpu.memory_space<hbm>> -> memref<10000xi32, #tpu.memory_space<hbm>>
      %dma_start3A_114 = tpu.memref_slice %arg3[%mul3A_2] : memref<320000xi32, #tpu.memory_space<hbm>> -> memref<10000xi32, #tpu.memory_space<hbm>>
      tpu.enqueue_dma source(%dma_start3A_114 : memref<10000xi32, #tpu.memory_space<hbm>>) target(%arg7 : memref<10000xi32, #tpu.memory_space<vmem>>) target_semaphore(%run_scoped3A : memref<!tpu.dma_semaphore, #tpu.memory_space<semaphore_mem>>)
      %dma_wait3A_115 = tpu.memref_slice %arg3[%mul3A_2] : memref<320000xi32, #tpu.memory_space<hbm>> -> memref<10000xi32, #tpu.memory_space<hbm>>
      %dma_wait3A_116 = tpu.memref_slice %arg3[%mul3A_2] : memref<320000xi32, #tpu.memory_space<hbm>> -> memref<10000xi32, #tpu.memory_space<hbm>>
      tpu.wait_dma2 semaphore(%run_scoped3A : memref<!tpu.dma_semaphore, #tpu.memory_space<semaphore_mem>>) src(%dma_wait3A_116 : memref<10000xi32, #tpu.memory_space<hbm>>) dst(%arg7 : memref<10000xi32, #tpu.memory_space<vmem>>)
      tpu.yield
    }) : () -> ()
    %mul3A_3 = arith.constant 632 : i32
    %mul3A_4 = arith.muli %arg1, %mul3A_3 : i32
    "tpu.region"() ({
      %run_scoped3A = tpu.sem_alloc : memref<!tpu.dma_semaphore, #tpu.memory_space<semaphore_mem>>
      %dma_start3A_113 = arith.constant 0 : i32
      %dma_start3A_114 = tpu.memref_slice %arg8[%mul3A_4, %dma_start3A_113] : memref<10112x128xf32, #tpu.memory_space<vmem_shared>> -> memref<632x128xf32, #tpu.memory_space<vmem_shared>>
      tpu.enqueue_dma source(%arg5 : memref<632x128xf32, #tpu.memory_space<hbm>>) target(%dma_start3A_114 : memref<632x128xf32, #tpu.memory_space<vmem_shared>>) target_semaphore(%run_scoped3A : memref<!tpu.dma_semaphore, #tpu.memory_space<semaphore_mem>>)
      %dma_wait3A_115 = arith.constant 0 : i32
      %dma_wait3A_116 = tpu.memref_slice %arg8[%mul3A_4, %dma_wait3A_115] : memref<10112x128xf32, #tpu.memory_space<vmem_shared>> -> memref<632x128xf32, #tpu.memory_space<vmem_shared>>
      tpu.wait_dma2 semaphore(%run_scoped3A : memref<!tpu.dma_semaphore, #tpu.memory_space<semaphore_mem>>) src(%arg5 : memref<632x128xf32, #tpu.memory_space<hbm>>) dst(%dma_wait3A_116 : memref<632x128xf32, #tpu.memory_space<vmem_shared>>)
      tpu.yield
    }) : () -> ()
    %barrier3A = arith.constant 0 : index
    tpu.barrier barrier_id(%barrier3A)
    %mul3A_5 = arith.constant 125 : i32
    %mul3A_6 = arith.muli %add3A, %mul3A_5 : i32
    %add3A_7 = arith.constant 0 : i32
    %add3A_8 = arith.addi %mul3A_6, %add3A_7 : i32
    %dma_start3A = arith.constant 0 : i32
    %dma_start3A_9 = arith.constant 0 : i32
    %dma_start3A_10 = tpu.memref_slice %arg4[%add3A_8, %dma_start3A, %dma_start3A_9] : memref<4000x1x80xi32, #tpu.memory_space<hbm>> -> memref<1x1x80xi32, #tpu.memory_space<hbm>>
    %dma_start3A_11 = tpu.memref_squeeze %dma_start3A_10 : memref<1x1x80xi32, #tpu.memory_space<hbm>> -> memref<1x80xi32, #tpu.memory_space<hbm>>
    %dma_start3A_12 = arith.constant 0 : i32
    %dma_start3A_13 = arith.constant 0 : i32
    %dma_start3A_14 = tpu.memref_slice %arg4[%add3A_8, %dma_start3A_12, %dma_start3A_13] : memref<4000x1x80xi32, #tpu.memory_space<hbm>> -> memref<1x1x80xi32, #tpu.memory_space<hbm>>
    %dma_start3A_15 = tpu.memref_squeeze %dma_start3A_14 : memref<1x1x80xi32, #tpu.memory_space<hbm>> -> memref<1x80xi32, #tpu.memory_space<hbm>>
    tpu.enqueue_dma source(%dma_start3A_15 : memref<1x80xi32, #tpu.memory_space<hbm>>) target(%arg9 : memref<1x80xi32, #tpu.memory_space<vmem>>) target_semaphore(%arg21 : memref<!tpu.dma_semaphore, #tpu.memory_space<semaphore_mem>>)
    %dma_start3A_16 = arith.constant 0 : i32
    %dma_start3A_17 = tpu.memref_slice %arg7[%dma_start3A_16] : memref<10000xi32, #tpu.memory_space<vmem>> -> memref<80xi32, #tpu.memory_space<vmem>>
    %dma_start3A_18 = arith.constant 0 : i32
    %dma_start3A_19 = arith.constant 0 : i32
    %dma_start3A_20 = tpu.memref_slice %arg2[%dma_start3A_18, %dma_start3A_19] : memref<40000x128xf32, #tpu.memory_space<hbm>> -> memref<40000x128xf32, #tpu.memory_space<hbm>>
    tpu.enqueue_indirect_dma source(%dma_start3A_20 : memref<40000x128xf32, #tpu.memory_space<hbm>>) target(%arg12 : memref<80x128xf32, #tpu.memory_space<vmem>>) offsets(%dma_start3A_17 : memref<80xi32, #tpu.memory_space<vmem>>) semaphore(%arg15 : memref<!tpu.dma_semaphore, #tpu.memory_space<semaphore_mem>>)
    %add3A_21 = arith.constant 1 : i32
    %add3A_22 = arith.addi %mul3A_6, %add3A_21 : i32
    %dma_start3A_23 = arith.constant 0 : i32
    %dma_start3A_24 = arith.constant 0 : i32
    %dma_start3A_25 = tpu.memref_slice %arg4[%add3A_22, %dma_start3A_23, %dma_start3A_24] : memref<4000x1x80xi32, #tpu.memory_space<hbm>> -> memref<1x1x80xi32, #tpu.memory_space<hbm>>
    %dma_start3A_26 = tpu.memref_squeeze %dma_start3A_25 : memref<1x1x80xi32, #tpu.memory_space<hbm>> -> memref<1x80xi32, #tpu.memory_space<hbm>>
    %dma_start3A_27 = arith.constant 0 : i32
    %dma_start3A_28 = arith.constant 0 : i32
    %dma_start3A_29 = tpu.memref_slice %arg4[%add3A_22, %dma_start3A_27, %dma_start3A_28] : memref<4000x1x80xi32, #tpu.memory_space<hbm>> -> memref<1x1x80xi32, #tpu.memory_space<hbm>>
    %dma_start3A_30 = tpu.memref_squeeze %dma_start3A_29 : memref<1x1x80xi32, #tpu.memory_space<hbm>> -> memref<1x80xi32, #tpu.memory_space<hbm>>
    tpu.enqueue_dma source(%dma_start3A_30 : memref<1x80xi32, #tpu.memory_space<hbm>>) target(%arg10 : memref<1x80xi32, #tpu.memory_space<vmem>>) target_semaphore(%arg22 : memref<!tpu.dma_semaphore, #tpu.memory_space<semaphore_mem>>)
    %dma_start3A_31 = arith.constant 80 : i32
    %dma_start3A_32 = tpu.memref_slice %arg7[%dma_start3A_31] : memref<10000xi32, #tpu.memory_space<vmem>> -> memref<80xi32, #tpu.memory_space<vmem>>
    %dma_start3A_33 = arith.constant 0 : i32
    %dma_start3A_34 = arith.constant 0 : i32
    %dma_start3A_35 = tpu.memref_slice %arg2[%dma_start3A_33, %dma_start3A_34] : memref<40000x128xf32, #tpu.memory_space<hbm>> -> memref<40000x128xf32, #tpu.memory_space<hbm>>
    tpu.enqueue_indirect_dma source(%dma_start3A_35 : memref<40000x128xf32, #tpu.memory_space<hbm>>) target(%arg13 : memref<80x128xf32, #tpu.memory_space<vmem>>) offsets(%dma_start3A_32 : memref<80xi32, #tpu.memory_space<vmem>>) semaphore(%arg16 : memref<!tpu.dma_semaphore, #tpu.memory_space<semaphore_mem>>)
    %add3A_36 = arith.constant 2 : i32
    %add3A_37 = arith.addi %mul3A_6, %add3A_36 : i32
    %dma_start3A_38 = arith.constant 0 : i32
    %dma_start3A_39 = arith.constant 0 : i32
    %dma_start3A_40 = tpu.memref_slice %arg4[%add3A_37, %dma_start3A_38, %dma_start3A_39] : memref<4000x1x80xi32, #tpu.memory_space<hbm>> -> memref<1x1x80xi32, #tpu.memory_space<hbm>>
    %dma_start3A_41 = tpu.memref_squeeze %dma_start3A_40 : memref<1x1x80xi32, #tpu.memory_space<hbm>> -> memref<1x80xi32, #tpu.memory_space<hbm>>
    %dma_start3A_42 = arith.constant 0 : i32
    %dma_start3A_43 = arith.constant 0 : i32
    %dma_start3A_44 = tpu.memref_slice %arg4[%add3A_37, %dma_start3A_42, %dma_start3A_43] : memref<4000x1x80xi32, #tpu.memory_space<hbm>> -> memref<1x1x80xi32, #tpu.memory_space<hbm>>
    %dma_start3A_45 = tpu.memref_squeeze %dma_start3A_44 : memref<1x1x80xi32, #tpu.memory_space<hbm>> -> memref<1x80xi32, #tpu.memory_space<hbm>>
    tpu.enqueue_dma source(%dma_start3A_45 : memref<1x80xi32, #tpu.memory_space<hbm>>) target(%arg11 : memref<1x80xi32, #tpu.memory_space<vmem>>) target_semaphore(%arg23 : memref<!tpu.dma_semaphore, #tpu.memory_space<semaphore_mem>>)
    %dma_start3A_46 = arith.constant 160 : i32
    %dma_start3A_47 = tpu.memref_slice %arg7[%dma_start3A_46] : memref<10000xi32, #tpu.memory_space<vmem>> -> memref<80xi32, #tpu.memory_space<vmem>>
    %dma_start3A_48 = arith.constant 0 : i32
    %dma_start3A_49 = arith.constant 0 : i32
    %dma_start3A_50 = tpu.memref_slice %arg2[%dma_start3A_48, %dma_start3A_49] : memref<40000x128xf32, #tpu.memory_space<hbm>> -> memref<40000x128xf32, #tpu.memory_space<hbm>>
    tpu.enqueue_indirect_dma source(%dma_start3A_50 : memref<40000x128xf32, #tpu.memory_space<hbm>>) target(%arg14 : memref<80x128xf32, #tpu.memory_space<vmem>>) offsets(%dma_start3A_47 : memref<80xi32, #tpu.memory_space<vmem>>) semaphore(%arg17 : memref<!tpu.dma_semaphore, #tpu.memory_space<semaphore_mem>>)
    %scan3A = arith.constant 0 : i32
    %scan3A_51 = arith.constant 0 : i32
    %scan3A_52 = arith.constant 41 : i32
    %scan3A_53 = arith.addi %scan3A_51, %scan3A_52 : i32
    %scan3A_54 = arith.constant 1 : i32
    %scan3A_55 = scf.for %scan3A_113 = %scan3A_51 to %scan3A_53 step %scan3A_54 iter_args(%scan3A_114 = %scan3A) -> (i32)  : i32 {
      %mul3A_115 = arith.constant 3 : i32
      %mul3A_116 = arith.muli %scan3A_113, %mul3A_115 : i32
      %dma_wait3A_117 = arith.constant 0 : i32
      %dma_wait3A_118 = arith.constant 0 : i32
      %dma_wait3A_119 = tpu.memref_slice %arg2[%dma_wait3A_117, %dma_wait3A_118] : memref<40000x128xf32, #tpu.memory_space<hbm>> -> memref<80x128xf32, #tpu.memory_space<hbm>>
      %dma_wait3A_120 = arith.constant 0 : i32
      %dma_wait3A_121 = arith.constant 0 : i32
      %dma_wait3A_122 = tpu.memref_slice %arg2[%dma_wait3A_120, %dma_wait3A_121] : memref<40000x128xf32, #tpu.memory_space<hbm>> -> memref<80x128xf32, #tpu.memory_space<hbm>>
      tpu.wait_dma2 semaphore(%arg15 : memref<!tpu.dma_semaphore, #tpu.memory_space<semaphore_mem>>) src(%dma_wait3A_122 : memref<80x128xf32, #tpu.memory_space<hbm>>) dst(%arg12 : memref<80x128xf32, #tpu.memory_space<vmem>>)
      %dma_wait3A_123 = arith.constant 0 : i32
      %dma_wait3A_124 = arith.constant 0 : i32
      %dma_wait3A_125 = arith.constant 0 : i32
      %dma_wait3A_126 = tpu.memref_slice %arg4[%dma_wait3A_123, %dma_wait3A_124, %dma_wait3A_125] : memref<4000x1x80xi32, #tpu.memory_space<hbm>> -> memref<1x1x80xi32, #tpu.memory_space<hbm>>
      %dma_wait3A_127 = tpu.memref_squeeze %dma_wait3A_126 : memref<1x1x80xi32, #tpu.memory_space<hbm>> -> memref<1x80xi32, #tpu.memory_space<hbm>>
      %dma_wait3A_128 = arith.constant 0 : i32
      %dma_wait3A_129 = arith.constant 0 : i32
      %dma_wait3A_130 = tpu.memref_slice %arg4[%dma_wait3A_123, %dma_wait3A_128, %dma_wait3A_129] : memref<4000x1x80xi32, #tpu.memory_space<hbm>> -> memref<1x1x80xi32, #tpu.memory_space<hbm>>
      %dma_wait3A_131 = tpu.memref_squeeze %dma_wait3A_130 : memref<1x1x80xi32, #tpu.memory_space<hbm>> -> memref<1x80xi32, #tpu.memory_space<hbm>>
      tpu.wait_dma2 semaphore(%arg21 : memref<!tpu.dma_semaphore, #tpu.memory_space<semaphore_mem>>) src(%dma_wait3A_131 : memref<1x80xi32, #tpu.memory_space<hbm>>) dst(%arg9 : memref<1x80xi32, #tpu.memory_space<vmem>>)
      %dma_start3A_132 = arith.constant 0 : i32
      %dma_start3A_133 = arith.constant 0 : i32
      %dma_start3A_134 = tpu.memref_slice %arg9[%dma_start3A_132, %dma_start3A_133] : memref<1x80xi32, #tpu.memory_space<vmem>> -> memref<1x80xi32, #tpu.memory_space<vmem>>
      %dma_start3A_135 = tpu.memref_squeeze %dma_start3A_134 : memref<1x80xi32, #tpu.memory_space<vmem>> -> memref<80xi32, #tpu.memory_space<vmem>>
      %dma_start3A_136 = arith.constant 0 : i32
      %dma_start3A_137 = arith.constant 0 : i32
      %dma_start3A_138 = tpu.memref_slice %arg8[%dma_start3A_136, %dma_start3A_137] : memref<10112x128xf32, #tpu.memory_space<vmem_shared>> -> memref<10112x128xf32, #tpu.memory_space<vmem_shared>>
      tpu.enqueue_indirect_dma source(%arg12 : memref<80x128xf32, #tpu.memory_space<vmem>>) target(%dma_start3A_138 : memref<10112x128xf32, #tpu.memory_space<vmem_shared>>) offsets(%dma_start3A_135 : memref<80xi32, #tpu.memory_space<vmem>>) semaphore(%arg18 : memref<!tpu.dma_semaphore, #tpu.memory_space<semaphore_mem>>) {add = true}
      %dma_wait3A_139 = arith.constant 0 : i32
      %dma_wait3A_140 = arith.constant 0 : i32
      %dma_wait3A_141 = tpu.memref_slice %arg2[%dma_wait3A_139, %dma_wait3A_140] : memref<40000x128xf32, #tpu.memory_space<hbm>> -> memref<80x128xf32, #tpu.memory_space<hbm>>
      %dma_wait3A_142 = arith.constant 0 : i32
      %dma_wait3A_143 = arith.constant 0 : i32
      %dma_wait3A_144 = tpu.memref_slice %arg2[%dma_wait3A_142, %dma_wait3A_143] : memref<40000x128xf32, #tpu.memory_space<hbm>> -> memref<80x128xf32, #tpu.memory_space<hbm>>
      tpu.wait_dma2 semaphore(%arg16 : memref<!tpu.dma_semaphore, #tpu.memory_space<semaphore_mem>>) src(%dma_wait3A_144 : memref<80x128xf32, #tpu.memory_space<hbm>>) dst(%arg13 : memref<80x128xf32, #tpu.memory_space<vmem>>)
      %dma_wait3A_145 = arith.constant 0 : i32
      %dma_wait3A_146 = arith.constant 0 : i32
      %dma_wait3A_147 = arith.constant 0 : i32
      %dma_wait3A_148 = tpu.memref_slice %arg4[%dma_wait3A_145, %dma_wait3A_146, %dma_wait3A_147] : memref<4000x1x80xi32, #tpu.memory_space<hbm>> -> memref<1x1x80xi32, #tpu.memory_space<hbm>>
      %dma_wait3A_149 = tpu.memref_squeeze %dma_wait3A_148 : memref<1x1x80xi32, #tpu.memory_space<hbm>> -> memref<1x80xi32, #tpu.memory_space<hbm>>
      %dma_wait3A_150 = arith.constant 0 : i32
      %dma_wait3A_151 = arith.constant 0 : i32
      %dma_wait3A_152 = tpu.memref_slice %arg4[%dma_wait3A_145, %dma_wait3A_150, %dma_wait3A_151] : memref<4000x1x80xi32, #tpu.memory_space<hbm>> -> memref<1x1x80xi32, #tpu.memory_space<hbm>>
      %dma_wait3A_153 = tpu.memref_squeeze %dma_wait3A_152 : memref<1x1x80xi32, #tpu.memory_space<hbm>> -> memref<1x80xi32, #tpu.memory_space<hbm>>
      tpu.wait_dma2 semaphore(%arg22 : memref<!tpu.dma_semaphore, #tpu.memory_space<semaphore_mem>>) src(%dma_wait3A_153 : memref<1x80xi32, #tpu.memory_space<hbm>>) dst(%arg10 : memref<1x80xi32, #tpu.memory_space<vmem>>)
      %dma_start3A_154 = arith.constant 0 : i32
      %dma_start3A_155 = arith.constant 0 : i32
      %dma_start3A_156 = tpu.memref_slice %arg10[%dma_start3A_154, %dma_start3A_155] : memref<1x80xi32, #tpu.memory_space<vmem>> -> memref<1x80xi32, #tpu.memory_space<vmem>>
      %dma_start3A_157 = tpu.memref_squeeze %dma_start3A_156 : memref<1x80xi32, #tpu.memory_space<vmem>> -> memref<80xi32, #tpu.memory_space<vmem>>
      %dma_start3A_158 = arith.constant 0 : i32
      %dma_start3A_159 = arith.constant 0 : i32
      %dma_start3A_160 = tpu.memref_slice %arg8[%dma_start3A_158, %dma_start3A_159] : memref<10112x128xf32, #tpu.memory_space<vmem_shared>> -> memref<10112x128xf32, #tpu.memory_space<vmem_shared>>
      tpu.enqueue_indirect_dma source(%arg13 : memref<80x128xf32, #tpu.memory_space<vmem>>) target(%dma_start3A_160 : memref<10112x128xf32, #tpu.memory_space<vmem_shared>>) offsets(%dma_start3A_157 : memref<80xi32, #tpu.memory_space<vmem>>) semaphore(%arg19 : memref<!tpu.dma_semaphore, #tpu.memory_space<semaphore_mem>>) {add = true}
      %dma_wait3A_161 = arith.constant 0 : i32
      %dma_wait3A_162 = arith.constant 0 : i32
      %dma_wait3A_163 = tpu.memref_slice %arg2[%dma_wait3A_161, %dma_wait3A_162] : memref<40000x128xf32, #tpu.memory_space<hbm>> -> memref<80x128xf32, #tpu.memory_space<hbm>>
      %dma_wait3A_164 = arith.constant 0 : i32
      %dma_wait3A_165 = arith.constant 0 : i32
      %dma_wait3A_166 = tpu.memref_slice %arg2[%dma_wait3A_164, %dma_wait3A_165] : memref<40000x128xf32, #tpu.memory_space<hbm>> -> memref<80x128xf32, #tpu.memory_space<hbm>>
      tpu.wait_dma2 semaphore(%arg17 : memref<!tpu.dma_semaphore, #tpu.memory_space<semaphore_mem>>) src(%dma_wait3A_166 : memref<80x128xf32, #tpu.memory_space<hbm>>) dst(%arg14 : memref<80x128xf32, #tpu.memory_space<vmem>>)
      %dma_wait3A_167 = arith.constant 0 : i32
      %dma_wait3A_168 = arith.constant 0 : i32
      %dma_wait3A_169 = arith.constant 0 : i32
      %dma_wait3A_170 = tpu.memref_slice %arg4[%dma_wait3A_167, %dma_wait3A_168, %dma_wait3A_169] : memref<4000x1x80xi32, #tpu.memory_space<hbm>> -> memref<1x1x80xi32, #tpu.memory_space<hbm>>
      %dma_wait3A_171 = tpu.memref_squeeze %dma_wait3A_170 : memref<1x1x80xi32, #tpu.memory_space<hbm>> -> memref<1x80xi32, #tpu.memory_space<hbm>>
      %dma_wait3A_172 = arith.constant 0 : i32
      %dma_wait3A_173 = arith.constant 0 : i32
      %dma_wait3A_174 = tpu.memref_slice %arg4[%dma_wait3A_167, %dma_wait3A_172, %dma_wait3A_173] : memref<4000x1x80xi32, #tpu.memory_space<hbm>> -> memref<1x1x80xi32, #tpu.memory_space<hbm>>
      %dma_wait3A_175 = tpu.memref_squeeze %dma_wait3A_174 : memref<1x1x80xi32, #tpu.memory_space<hbm>> -> memref<1x80xi32, #tpu.memory_space<hbm>>
      tpu.wait_dma2 semaphore(%arg23 : memref<!tpu.dma_semaphore, #tpu.memory_space<semaphore_mem>>) src(%dma_wait3A_175 : memref<1x80xi32, #tpu.memory_space<hbm>>) dst(%arg11 : memref<1x80xi32, #tpu.memory_space<vmem>>)
      %dma_start3A_176 = arith.constant 0 : i32
      %dma_start3A_177 = arith.constant 0 : i32
      %dma_start3A_178 = tpu.memref_slice %arg11[%dma_start3A_176, %dma_start3A_177] : memref<1x80xi32, #tpu.memory_space<vmem>> -> memref<1x80xi32, #tpu.memory_space<vmem>>
      %dma_start3A_179 = tpu.memref_squeeze %dma_start3A_178 : memref<1x80xi32, #tpu.memory_space<vmem>> -> memref<80xi32, #tpu.memory_space<vmem>>
      %dma_start3A_180 = arith.constant 0 : i32
      %dma_start3A_181 = arith.constant 0 : i32
      %dma_start3A_182 = tpu.memref_slice %arg8[%dma_start3A_180, %dma_start3A_181] : memref<10112x128xf32, #tpu.memory_space<vmem_shared>> -> memref<10112x128xf32, #tpu.memory_space<vmem_shared>>
      tpu.enqueue_indirect_dma source(%arg14 : memref<80x128xf32, #tpu.memory_space<vmem>>) target(%dma_start3A_182 : memref<10112x128xf32, #tpu.memory_space<vmem_shared>>) offsets(%dma_start3A_179 : memref<80xi32, #tpu.memory_space<vmem>>) semaphore(%arg20 : memref<!tpu.dma_semaphore, #tpu.memory_space<semaphore_mem>>) {add = true}
      %add3A_183 = arith.constant 0 : i32
      %add3A_184 = arith.addi %mul3A_116, %add3A_183 : i32
      %dma_wait3A_185 = arith.constant 0 : i32
      %dma_wait3A_186 = arith.constant 0 : i32
      %dma_wait3A_187 = tpu.memref_slice %arg2[%dma_wait3A_185, %dma_wait3A_186] : memref<40000x128xf32, #tpu.memory_space<hbm>> -> memref<80x128xf32, #tpu.memory_space<hbm>>
      %dma_wait3A_188 = arith.constant 0 : i32
      %dma_wait3A_189 = arith.constant 0 : i32
      %dma_wait3A_190 = tpu.memref_slice %arg2[%dma_wait3A_188, %dma_wait3A_189] : memref<40000x128xf32, #tpu.memory_space<hbm>> -> memref<80x128xf32, #tpu.memory_space<hbm>>
      tpu.wait_dma2 semaphore(%arg18 : memref<!tpu.dma_semaphore, #tpu.memory_space<semaphore_mem>>) src(%dma_wait3A_190 : memref<80x128xf32, #tpu.memory_space<hbm>>) dst(%arg12 : memref<80x128xf32, #tpu.memory_space<vmem>>)
      %add3A_191 = arith.constant 3 : i32
      %add3A_192 = arith.addi %add3A_184, %add3A_191 : i32
      %lt3A = arith.constant 125 : i32
      %lt3A_193 = arith.cmpi slt, %add3A_192, %lt3A : i32
      %convert_element_type3A = arith.extui %lt3A_193 : i1 to i32
      %cond3A = arith.constant 0 : i32
      %cond3A_194 = arith.cmpi ne, %convert_element_type3A, %cond3A : i32
      scf.if %cond3A_194 {
        %add3A_226 = arith.constant 3 : i32
        %add3A_227 = arith.addi %add3A_184, %add3A_226 : i32
        %mul3A_228 = arith.constant 80 : i32
        %mul3A_229 = arith.muli %add3A_227, %mul3A_228 : i32
        %dma_start3A_230 = tpu.memref_slice %arg7[%mul3A_229] : memref<10000xi32, #tpu.memory_space<vmem>> -> memref<80xi32, #tpu.memory_space<vmem>>
        %dma_start3A_231 = arith.constant 0 : i32
        %dma_start3A_232 = arith.constant 0 : i32
        %dma_start3A_233 = tpu.memref_slice %arg2[%dma_start3A_231, %dma_start3A_232] : memref<40000x128xf32, #tpu.memory_space<hbm>> -> memref<40000x128xf32, #tpu.memory_space<hbm>>
        tpu.enqueue_indirect_dma source(%dma_start3A_233 : memref<40000x128xf32, #tpu.memory_space<hbm>>) target(%arg12 : memref<80x128xf32, #tpu.memory_space<vmem>>) offsets(%dma_start3A_230 : memref<80xi32, #tpu.memory_space<vmem>>) semaphore(%arg15 : memref<!tpu.dma_semaphore, #tpu.memory_space<semaphore_mem>>)
        %add3A_234 = arith.addi %mul3A_6, %add3A_184 : i32
        %add3A_235 = arith.constant 3 : i32
        %add3A_236 = arith.addi %add3A_234, %add3A_235 : i32
        %dma_start3A_237 = arith.constant 0 : i32
        %dma_start3A_238 = arith.constant 0 : i32
        %dma_start3A_239 = tpu.memref_slice %arg4[%add3A_236, %dma_start3A_237, %dma_start3A_238] : memref<4000x1x80xi32, #tpu.memory_space<hbm>> -> memref<1x1x80xi32, #tpu.memory_space<hbm>>
        %dma_start3A_240 = tpu.memref_squeeze %dma_start3A_239 : memref<1x1x80xi32, #tpu.memory_space<hbm>> -> memref<1x80xi32, #tpu.memory_space<hbm>>
        %dma_start3A_241 = arith.constant 0 : i32
        %dma_start3A_242 = arith.constant 0 : i32
        %dma_start3A_243 = tpu.memref_slice %arg4[%add3A_236, %dma_start3A_241, %dma_start3A_242] : memref<4000x1x80xi32, #tpu.memory_space<hbm>> -> memref<1x1x80xi32, #tpu.memory_space<hbm>>
        %dma_start3A_244 = tpu.memref_squeeze %dma_start3A_243 : memref<1x1x80xi32, #tpu.memory_space<hbm>> -> memref<1x80xi32, #tpu.memory_space<hbm>>
        tpu.enqueue_dma source(%dma_start3A_244 : memref<1x80xi32, #tpu.memory_space<hbm>>) target(%arg9 : memref<1x80xi32, #tpu.memory_space<vmem>>) target_semaphore(%arg21 : memref<!tpu.dma_semaphore, #tpu.memory_space<semaphore_mem>>)
      } else {
      }
      %add3A_195 = arith.constant 1 : i32
      %add3A_196 = arith.addi %mul3A_116, %add3A_195 : i32
      %dma_wait3A_197 = arith.constant 0 : i32
      %dma_wait3A_198 = arith.constant 0 : i32
      %dma_wait3A_199 = tpu.memref_slice %arg2[%dma_wait3A_197, %dma_wait3A_198] : memref<40000x128xf32, #tpu.memory_space<hbm>> -> memref<80x128xf32, #tpu.memory_space<hbm>>
      %dma_wait3A_200 = arith.constant 0 : i32
      %dma_wait3A_201 = arith.constant 0 : i32
      %dma_wait3A_202 = tpu.memref_slice %arg2[%dma_wait3A_200, %dma_wait3A_201] : memref<40000x128xf32, #tpu.memory_space<hbm>> -> memref<80x128xf32, #tpu.memory_space<hbm>>
      tpu.wait_dma2 semaphore(%arg19 : memref<!tpu.dma_semaphore, #tpu.memory_space<semaphore_mem>>) src(%dma_wait3A_202 : memref<80x128xf32, #tpu.memory_space<hbm>>) dst(%arg13 : memref<80x128xf32, #tpu.memory_space<vmem>>)
      %add3A_203 = arith.constant 3 : i32
      %add3A_204 = arith.addi %add3A_196, %add3A_203 : i32
      %lt3A_205 = arith.constant 125 : i32
      %lt3A_206 = arith.cmpi slt, %add3A_204, %lt3A_205 : i32
      %convert_element_type3A_207 = arith.extui %lt3A_206 : i1 to i32
      %cond3A_208 = arith.constant 0 : i32
      %cond3A_209 = arith.cmpi ne, %convert_element_type3A_207, %cond3A_208 : i32
      scf.if %cond3A_209 {
        %add3A_226 = arith.constant 3 : i32
        %add3A_227 = arith.addi %add3A_196, %add3A_226 : i32
        %mul3A_228 = arith.constant 80 : i32
        %mul3A_229 = arith.muli %add3A_227, %mul3A_228 : i32
        %dma_start3A_230 = tpu.memref_slice %arg7[%mul3A_229] : memref<10000xi32, #tpu.memory_space<vmem>> -> memref<80xi32, #tpu.memory_space<vmem>>
        %dma_start3A_231 = arith.constant 0 : i32
        %dma_start3A_232 = arith.constant 0 : i32
        %dma_start3A_233 = tpu.memref_slice %arg2[%dma_start3A_231, %dma_start3A_232] : memref<40000x128xf32, #tpu.memory_space<hbm>> -> memref<40000x128xf32, #tpu.memory_space<hbm>>
        tpu.enqueue_indirect_dma source(%dma_start3A_233 : memref<40000x128xf32, #tpu.memory_space<hbm>>) target(%arg13 : memref<80x128xf32, #tpu.memory_space<vmem>>) offsets(%dma_start3A_230 : memref<80xi32, #tpu.memory_space<vmem>>) semaphore(%arg16 : memref<!tpu.dma_semaphore, #tpu.memory_space<semaphore_mem>>)
        %add3A_234 = arith.addi %mul3A_6, %add3A_196 : i32
        %add3A_235 = arith.constant 3 : i32
        %add3A_236 = arith.addi %add3A_234, %add3A_235 : i32
        %dma_start3A_237 = arith.constant 0 : i32
        %dma_start3A_238 = arith.constant 0 : i32
        %dma_start3A_239 = tpu.memref_slice %arg4[%add3A_236, %dma_start3A_237, %dma_start3A_238] : memref<4000x1x80xi32, #tpu.memory_space<hbm>> -> memref<1x1x80xi32, #tpu.memory_space<hbm>>
        %dma_start3A_240 = tpu.memref_squeeze %dma_start3A_239 : memref<1x1x80xi32, #tpu.memory_space<hbm>> -> memref<1x80xi32, #tpu.memory_space<hbm>>
        %dma_start3A_241 = arith.constant 0 : i32
        %dma_start3A_242 = arith.constant 0 : i32
        %dma_start3A_243 = tpu.memref_slice %arg4[%add3A_236, %dma_start3A_241, %dma_start3A_242] : memref<4000x1x80xi32, #tpu.memory_space<hbm>> -> memref<1x1x80xi32, #tpu.memory_space<hbm>>
        %dma_start3A_244 = tpu.memref_squeeze %dma_start3A_243 : memref<1x1x80xi32, #tpu.memory_space<hbm>> -> memref<1x80xi32, #tpu.memory_space<hbm>>
        tpu.enqueue_dma source(%dma_start3A_244 : memref<1x80xi32, #tpu.memory_space<hbm>>) target(%arg10 : memref<1x80xi32, #tpu.memory_space<vmem>>) target_semaphore(%arg22 : memref<!tpu.dma_semaphore, #tpu.memory_space<semaphore_mem>>)
      } else {
      }
      %add3A_210 = arith.constant 2 : i32
      %add3A_211 = arith.addi %mul3A_116, %add3A_210 : i32
      %dma_wait3A_212 = arith.constant 0 : i32
      %dma_wait3A_213 = arith.constant 0 : i32
      %dma_wait3A_214 = tpu.memref_slice %arg2[%dma_wait3A_212, %dma_wait3A_213] : memref<40000x128xf32, #tpu.memory_space<hbm>> -> memref<80x128xf32, #tpu.memory_space<hbm>>
      %dma_wait3A_215 = arith.constant 0 : i32
      %dma_wait3A_216 = arith.constant 0 : i32
      %dma_wait3A_217 = tpu.memref_slice %arg2[%dma_wait3A_215, %dma_wait3A_216] : memref<40000x128xf32, #tpu.memory_space<hbm>> -> memref<80x128xf32, #tpu.memory_space<hbm>>
      tpu.wait_dma2 semaphore(%arg20 : memref<!tpu.dma_semaphore, #tpu.memory_space<semaphore_mem>>) src(%dma_wait3A_217 : memref<80x128xf32, #tpu.memory_space<hbm>>) dst(%arg14 : memref<80x128xf32, #tpu.memory_space<vmem>>)
      %add3A_218 = arith.constant 3 : i32
      %add3A_219 = arith.addi %add3A_211, %add3A_218 : i32
      %lt3A_220 = arith.constant 125 : i32
      %lt3A_221 = arith.cmpi slt, %add3A_219, %lt3A_220 : i32
      %convert_element_type3A_222 = arith.extui %lt3A_221 : i1 to i32
      %cond3A_223 = arith.constant 0 : i32
      %cond3A_224 = arith.cmpi ne, %convert_element_type3A_222, %cond3A_223 : i32
      scf.if %cond3A_224 {
        %add3A_226 = arith.constant 3 : i32
        %add3A_227 = arith.addi %add3A_211, %add3A_226 : i32
        %mul3A_228 = arith.constant 80 : i32
        %mul3A_229 = arith.muli %add3A_227, %mul3A_228 : i32
        %dma_start3A_230 = tpu.memref_slice %arg7[%mul3A_229] : memref<10000xi32, #tpu.memory_space<vmem>> -> memref<80xi32, #tpu.memory_space<vmem>>
        %dma_start3A_231 = arith.constant 0 : i32
        %dma_start3A_232 = arith.constant 0 : i32
        %dma_start3A_233 = tpu.memref_slice %arg2[%dma_start3A_231, %dma_start3A_232] : memref<40000x128xf32, #tpu.memory_space<hbm>> -> memref<40000x128xf32, #tpu.memory_space<hbm>>
        tpu.enqueue_indirect_dma source(%dma_start3A_233 : memref<40000x128xf32, #tpu.memory_space<hbm>>) target(%arg14 : memref<80x128xf32, #tpu.memory_space<vmem>>) offsets(%dma_start3A_230 : memref<80xi32, #tpu.memory_space<vmem>>) semaphore(%arg17 : memref<!tpu.dma_semaphore, #tpu.memory_space<semaphore_mem>>)
        %add3A_234 = arith.addi %mul3A_6, %add3A_211 : i32
        %add3A_235 = arith.constant 3 : i32
        %add3A_236 = arith.addi %add3A_234, %add3A_235 : i32
        %dma_start3A_237 = arith.constant 0 : i32
        %dma_start3A_238 = arith.constant 0 : i32
        %dma_start3A_239 = tpu.memref_slice %arg4[%add3A_236, %dma_start3A_237, %dma_start3A_238] : memref<4000x1x80xi32, #tpu.memory_space<hbm>> -> memref<1x1x80xi32, #tpu.memory_space<hbm>>
        %dma_start3A_240 = tpu.memref_squeeze %dma_start3A_239 : memref<1x1x80xi32, #tpu.memory_space<hbm>> -> memref<1x80xi32, #tpu.memory_space<hbm>>
        %dma_start3A_241 = arith.constant 0 : i32
        %dma_start3A_242 = arith.constant 0 : i32
        %dma_start3A_243 = tpu.memref_slice %arg4[%add3A_236, %dma_start3A_241, %dma_start3A_242] : memref<4000x1x80xi32, #tpu.memory_space<hbm>> -> memref<1x1x80xi32, #tpu.memory_space<hbm>>
        %dma_start3A_244 = tpu.memref_squeeze %dma_start3A_243 : memref<1x1x80xi32, #tpu.memory_space<hbm>> -> memref<1x80xi32, #tpu.memory_space<hbm>>
        tpu.enqueue_dma source(%dma_start3A_244 : memref<1x80xi32, #tpu.memory_space<hbm>>) target(%arg11 : memref<1x80xi32, #tpu.memory_space<vmem>>) target_semaphore(%arg23 : memref<!tpu.dma_semaphore, #tpu.memory_space<semaphore_mem>>)
      } else {
      }
      %scan3A_225 = arith.constant 0 : i32
      scf.yield %scan3A_225 : i32
    }
    %scan3A_56 = arith.constant 41 : i32
    %dma_wait3A = arith.constant 0 : i32
    %dma_wait3A_57 = arith.constant 0 : i32
    %dma_wait3A_58 = tpu.memref_slice %arg2[%dma_wait3A, %dma_wait3A_57] : memref<40000x128xf32, #tpu.memory_space<hbm>> -> memref<80x128xf32, #tpu.memory_space<hbm>>
    %dma_wait3A_59 = arith.constant 0 : i32
    %dma_wait3A_60 = arith.constant 0 : i32
    %dma_wait3A_61 = tpu.memref_slice %arg2[%dma_wait3A_59, %dma_wait3A_60] : memref<40000x128xf32, #tpu.memory_space<hbm>> -> memref<80x128xf32, #tpu.memory_space<hbm>>
    tpu.wait_dma2 semaphore(%arg15 : memref<!tpu.dma_semaphore, #tpu.memory_space<semaphore_mem>>) src(%dma_wait3A_61 : memref<80x128xf32, #tpu.memory_space<hbm>>) dst(%arg12 : memref<80x128xf32, #tpu.memory_space<vmem>>)
    %dma_wait3A_62 = arith.constant 0 : i32
    %dma_wait3A_63 = arith.constant 0 : i32
    %dma_wait3A_64 = arith.constant 0 : i32
    %dma_wait3A_65 = tpu.memref_slice %arg4[%dma_wait3A_62, %dma_wait3A_63, %dma_wait3A_64] : memref<4000x1x80xi32, #tpu.memory_space<hbm>> -> memref<1x1x80xi32, #tpu.memory_space<hbm>>
    %dma_wait3A_66 = tpu.memref_squeeze %dma_wait3A_65 : memref<1x1x80xi32, #tpu.memory_space<hbm>> -> memref<1x80xi32, #tpu.memory_space<hbm>>
    %dma_wait3A_67 = arith.constant 0 : i32
    %dma_wait3A_68 = arith.constant 0 : i32
    %dma_wait3A_69 = tpu.memref_slice %arg4[%dma_wait3A_62, %dma_wait3A_67, %dma_wait3A_68] : memref<4000x1x80xi32, #tpu.memory_space<hbm>> -> memref<1x1x80xi32, #tpu.memory_space<hbm>>
    %dma_wait3A_70 = tpu.memref_squeeze %dma_wait3A_69 : memref<1x1x80xi32, #tpu.memory_space<hbm>> -> memref<1x80xi32, #tpu.memory_space<hbm>>
    tpu.wait_dma2 semaphore(%arg21 : memref<!tpu.dma_semaphore, #tpu.memory_space<semaphore_mem>>) src(%dma_wait3A_70 : memref<1x80xi32, #tpu.memory_space<hbm>>) dst(%arg9 : memref<1x80xi32, #tpu.memory_space<vmem>>)
    %dma_start3A_71 = arith.constant 0 : i32
    %dma_start3A_72 = arith.constant 0 : i32
    %dma_start3A_73 = tpu.memref_slice %arg9[%dma_start3A_71, %dma_start3A_72] : memref<1x80xi32, #tpu.memory_space<vmem>> -> memref<1x80xi32, #tpu.memory_space<vmem>>
    %dma_start3A_74 = tpu.memref_squeeze %dma_start3A_73 : memref<1x80xi32, #tpu.memory_space<vmem>> -> memref<80xi32, #tpu.memory_space<vmem>>
    %dma_start3A_75 = arith.constant 0 : i32
    %dma_start3A_76 = arith.constant 0 : i32
    %dma_start3A_77 = tpu.memref_slice %arg8[%dma_start3A_75, %dma_start3A_76] : memref<10112x128xf32, #tpu.memory_space<vmem_shared>> -> memref<10112x128xf32, #tpu.memory_space<vmem_shared>>
    tpu.enqueue_indirect_dma source(%arg12 : memref<80x128xf32, #tpu.memory_space<vmem>>) target(%dma_start3A_77 : memref<10112x128xf32, #tpu.memory_space<vmem_shared>>) offsets(%dma_start3A_74 : memref<80xi32, #tpu.memory_space<vmem>>) semaphore(%arg18 : memref<!tpu.dma_semaphore, #tpu.memory_space<semaphore_mem>>) {add = true}
    %dma_wait3A_78 = arith.constant 0 : i32
    %dma_wait3A_79 = arith.constant 0 : i32
    %dma_wait3A_80 = tpu.memref_slice %arg2[%dma_wait3A_78, %dma_wait3A_79] : memref<40000x128xf32, #tpu.memory_space<hbm>> -> memref<80x128xf32, #tpu.memory_space<hbm>>
    %dma_wait3A_81 = arith.constant 0 : i32
    %dma_wait3A_82 = arith.constant 0 : i32
    %dma_wait3A_83 = tpu.memref_slice %arg2[%dma_wait3A_81, %dma_wait3A_82] : memref<40000x128xf32, #tpu.memory_space<hbm>> -> memref<80x128xf32, #tpu.memory_space<hbm>>
    tpu.wait_dma2 semaphore(%arg16 : memref<!tpu.dma_semaphore, #tpu.memory_space<semaphore_mem>>) src(%dma_wait3A_83 : memref<80x128xf32, #tpu.memory_space<hbm>>) dst(%arg13 : memref<80x128xf32, #tpu.memory_space<vmem>>)
    %dma_wait3A_84 = arith.constant 0 : i32
    %dma_wait3A_85 = arith.constant 0 : i32
    %dma_wait3A_86 = arith.constant 0 : i32
    %dma_wait3A_87 = tpu.memref_slice %arg4[%dma_wait3A_84, %dma_wait3A_85, %dma_wait3A_86] : memref<4000x1x80xi32, #tpu.memory_space<hbm>> -> memref<1x1x80xi32, #tpu.memory_space<hbm>>
    %dma_wait3A_88 = tpu.memref_squeeze %dma_wait3A_87 : memref<1x1x80xi32, #tpu.memory_space<hbm>> -> memref<1x80xi32, #tpu.memory_space<hbm>>
    %dma_wait3A_89 = arith.constant 0 : i32
    %dma_wait3A_90 = arith.constant 0 : i32
    %dma_wait3A_91 = tpu.memref_slice %arg4[%dma_wait3A_84, %dma_wait3A_89, %dma_wait3A_90] : memref<4000x1x80xi32, #tpu.memory_space<hbm>> -> memref<1x1x80xi32, #tpu.memory_space<hbm>>
    %dma_wait3A_92 = tpu.memref_squeeze %dma_wait3A_91 : memref<1x1x80xi32, #tpu.memory_space<hbm>> -> memref<1x80xi32, #tpu.memory_space<hbm>>
    tpu.wait_dma2 semaphore(%arg22 : memref<!tpu.dma_semaphore, #tpu.memory_space<semaphore_mem>>) src(%dma_wait3A_92 : memref<1x80xi32, #tpu.memory_space<hbm>>) dst(%arg10 : memref<1x80xi32, #tpu.memory_space<vmem>>)
    %dma_start3A_93 = arith.constant 0 : i32
    %dma_start3A_94 = arith.constant 0 : i32
    %dma_start3A_95 = tpu.memref_slice %arg10[%dma_start3A_93, %dma_start3A_94] : memref<1x80xi32, #tpu.memory_space<vmem>> -> memref<1x80xi32, #tpu.memory_space<vmem>>
    %dma_start3A_96 = tpu.memref_squeeze %dma_start3A_95 : memref<1x80xi32, #tpu.memory_space<vmem>> -> memref<80xi32, #tpu.memory_space<vmem>>
    %dma_start3A_97 = arith.constant 0 : i32
    %dma_start3A_98 = arith.constant 0 : i32
    %dma_start3A_99 = tpu.memref_slice %arg8[%dma_start3A_97, %dma_start3A_98] : memref<10112x128xf32, #tpu.memory_space<vmem_shared>> -> memref<10112x128xf32, #tpu.memory_space<vmem_shared>>
    tpu.enqueue_indirect_dma source(%arg13 : memref<80x128xf32, #tpu.memory_space<vmem>>) target(%dma_start3A_99 : memref<10112x128xf32, #tpu.memory_space<vmem_shared>>) offsets(%dma_start3A_96 : memref<80xi32, #tpu.memory_space<vmem>>) semaphore(%arg19 : memref<!tpu.dma_semaphore, #tpu.memory_space<semaphore_mem>>) {add = true}
    %dma_wait3A_100 = arith.constant 0 : i32
    %dma_wait3A_101 = arith.constant 0 : i32
    %dma_wait3A_102 = tpu.memref_slice %arg2[%dma_wait3A_100, %dma_wait3A_101] : memref<40000x128xf32, #tpu.memory_space<hbm>> -> memref<80x128xf32, #tpu.memory_space<hbm>>
    %dma_wait3A_103 = arith.constant 0 : i32
    %dma_wait3A_104 = arith.constant 0 : i32
    %dma_wait3A_105 = tpu.memref_slice %arg2[%dma_wait3A_103, %dma_wait3A_104] : memref<40000x128xf32, #tpu.memory_space<hbm>> -> memref<80x128xf32, #tpu.memory_space<hbm>>
    tpu.wait_dma2 semaphore(%arg18 : memref<!tpu.dma_semaphore, #tpu.memory_space<semaphore_mem>>) src(%dma_wait3A_105 : memref<80x128xf32, #tpu.memory_space<hbm>>) dst(%arg12 : memref<80x128xf32, #tpu.memory_space<vmem>>)
    %dma_wait3A_106 = arith.constant 0 : i32
    %dma_wait3A_107 = arith.constant 0 : i32
    %dma_wait3A_108 = tpu.memref_slice %arg2[%dma_wait3A_106, %dma_wait3A_107] : memref<40000x128xf32, #tpu.memory_space<hbm>> -> memref<80x128xf32, #tpu.memory_space<hbm>>
    %dma_wait3A_109 = arith.constant 0 : i32
    %dma_wait3A_110 = arith.constant 0 : i32
    %dma_wait3A_111 = tpu.memref_slice %arg2[%dma_wait3A_109, %dma_wait3A_110] : memref<40000x128xf32, #tpu.memory_space<hbm>> -> memref<80x128xf32, #tpu.memory_space<hbm>>
    tpu.wait_dma2 semaphore(%arg19 : memref<!tpu.dma_semaphore, #tpu.memory_space<semaphore_mem>>) src(%dma_wait3A_111 : memref<80x128xf32, #tpu.memory_space<hbm>>) dst(%arg13 : memref<80x128xf32, #tpu.memory_space<vmem>>)
    %barrier3A_112 = arith.constant 0 : index
    tpu.barrier barrier_id(%barrier3A_112)
    "tpu.region"() ({
      %run_scoped3A = tpu.sem_alloc : memref<!tpu.dma_semaphore, #tpu.memory_space<semaphore_mem>>
      %dma_start3A_113 = arith.constant 0 : i32
      %dma_start3A_114 = arith.constant 0 : i32
      %dma_start3A_115 = tpu.memref_slice %arg6[%arg0, %arg1, %dma_start3A_113, %dma_start3A_114] : memref<2x16x632x128xf32, #tpu.memory_space<hbm>> -> memref<1x1x632x128xf32, #tpu.memory_space<hbm>>
      %dma_start3A_116 = tpu.memref_squeeze %dma_start3A_115 : memref<1x1x632x128xf32, #tpu.memory_space<hbm>> -> memref<632x128xf32, #tpu.memory_space<hbm>>
      %dma_start3A_117 = arith.constant 0 : i32
      %dma_start3A_118 = tpu.memref_slice %arg8[%mul3A_4, %dma_start3A_117] : memref<10112x128xf32, #tpu.memory_space<vmem_shared>> -> memref<632x128xf32, #tpu.memory_space<vmem_shared>>
      tpu.enqueue_dma source(%dma_start3A_118 : memref<632x128xf32, #tpu.memory_space<vmem_shared>>) target(%dma_start3A_116 : memref<632x128xf32, #tpu.memory_space<hbm>>) target_semaphore(%run_scoped3A : memref<!tpu.dma_semaphore, #tpu.memory_space<semaphore_mem>>)
      %dma_wait3A_119 = arith.constant 0 : i32
      %dma_wait3A_120 = arith.constant 0 : i32
      %dma_wait3A_121 = tpu.memref_slice %arg6[%arg0, %arg1, %dma_wait3A_119, %dma_wait3A_120] : memref<2x16x632x128xf32, #tpu.memory_space<hbm>> -> memref<1x1x632x128xf32, #tpu.memory_space<hbm>>
      %dma_wait3A_122 = tpu.memref_squeeze %dma_wait3A_121 : memref<1x1x632x128xf32, #tpu.memory_space<hbm>> -> memref<632x128xf32, #tpu.memory_space<hbm>>
      %dma_wait3A_123 = arith.constant 0 : i32
      %dma_wait3A_124 = tpu.memref_slice %arg8[%mul3A_4, %dma_wait3A_123] : memref<10112x128xf32, #tpu.memory_space<vmem_shared>> -> memref<632x128xf32, #tpu.memory_space<vmem_shared>>
      tpu.wait_dma2 semaphore(%run_scoped3A : memref<!tpu.dma_semaphore, #tpu.memory_space<semaphore_mem>>) src(%dma_wait3A_124 : memref<632x128xf32, #tpu.memory_space<vmem_shared>>) dst(%dma_wait3A_122 : memref<632x128xf32, #tpu.memory_space<hbm>>)
      tpu.yield
    }) : () -> ()
    return
  }
}

#map = affine_map<(d0, d1) -> (0, 0)>
#map1 = affine_map<(d0, d1) -> (0)>
#map2 = affine_map<(d0, d1) -> (0, 0, 0)>
#map3 = affine_map<(d0, d1) -> (0, 0, 0, 0)>
module attributes {stable_mosaic.version = 14 : i64} {
  func.func @_sc_aggregate_body(%arg0: i32, %arg1: i32, %arg2: memref<40000x128xf32, #tpu.memory_space<hbm>>, %arg3: memref<320000xi32, #tpu.memory_space<hbm>>, %arg4: memref<4000x1x80xi32, #tpu.memory_space<hbm>>, %arg5: memref<632x128xf32, #tpu.memory_space<hbm>>, %arg6: memref<2x16x632x128xf32, #tpu.memory_space<hbm>>, %arg7: memref<10000xi32, #tpu.memory_space<vmem>>, %arg8: memref<10112x128xf32, #tpu.memory_space<vmem_shared>>, %arg9: memref<1x80xi32, #tpu.memory_space<vmem>>, %arg10: memref<1x80xi32, #tpu.memory_space<vmem>>, %arg11: memref<1x80xi32, #tpu.memory_space<vmem>>, %arg12: memref<80x128xf32, #tpu.memory_space<vmem>>, %arg13: memref<80x128xf32, #tpu.memory_space<vmem>>, %arg14: memref<80x128xf32, #tpu.memory_space<vmem>>, %arg15: memref<!tpu.dma_semaphore, #tpu.memory_space<semaphore_mem>>, %arg16: memref<!tpu.dma_semaphore, #tpu.memory_space<semaphore_mem>>, %arg17: memref<!tpu.dma_semaphore, #tpu.memory_space<semaphore_mem>>, %arg18: memref<!tpu.dma_semaphore, #tpu.memory_space<semaphore_mem>>, %arg19: memref<!tpu.dma_semaphore, #tpu.memory_space<semaphore_mem>>, %arg20: memref<!tpu.dma_semaphore, #tpu.memory_space<semaphore_mem>>, %arg21: memref<!tpu.dma_semaphore, #tpu.memory_space<semaphore_mem>>, %arg22: memref<!tpu.dma_semaphore, #tpu.memory_space<semaphore_mem>>, %arg23: memref<!tpu.dma_semaphore, #tpu.memory_space<semaphore_mem>>) attributes {dimension_semantics = [#tpu.dimension_semantics<core_parallel>, #tpu.dimension_semantics<subcore_parallel>], iteration_bounds = array<i64: 2, 16>, scalar_prefetch = 0 : i64, scratch_operands = 17 : i64, tpu.core_type = #tpu.core_type<sc_vector_subcore>, window_params = [{transform_indices = #map}, {transform_indices = #map1}, {transform_indices = #map2}, {transform_indices = #map}, {transform_indices = #map3}]} {
    %mul3A = arith.constant 16 : i32
    %mul3A_0 = arith.muli %arg0, %mul3A : i32
    %add3A = arith.addi %mul3A_0, %arg1 : i32
    %mul3A_1 = arith.constant 10000 : i32
    %mul3A_2 = arith.muli %add3A, %mul3A_1 : i32
    "tpu.region"() ({
      %run_scoped3A = tpu.sem_alloc : memref<!tpu.dma_semaphore, #tpu.memory_space<semaphore_mem>>
      %dma_start3A_113 = tpu.memref_slice %arg3[%mul3A_2] : memref<320000xi32, #tpu.memory_space<hbm>> -> memref<10000xi32, #tpu.memory_space<hbm>>
      %dma_start3A_114 = tpu.memref_slice %arg3[%mul3A_2] : memref<320000xi32, #tpu.memory_space<hbm>> -> memref<10000xi32, #tpu.memory_space<hbm>>
      tpu.enqueue_dma source(%dma_start3A_114 : memref<10000xi32, #tpu.memory_space<hbm>>) target(%arg7 : memref<10000xi32, #tpu.memory_space<vmem>>) target_semaphore(%run_scoped3A : memref<!tpu.dma_semaphore, #tpu.memory_space<semaphore_mem>>)
      %dma_wait3A_115 = tpu.memref_slice %arg3[%mul3A_2] : memref<320000xi32, #tpu.memory_space<hbm>> -> memref<10000xi32, #tpu.memory_space<hbm>>
      %dma_wait3A_116 = tpu.memref_slice %arg3[%mul3A_2] : memref<320000xi32, #tpu.memory_space<hbm>> -> memref<10000xi32, #tpu.memory_space<hbm>>
      tpu.wait_dma2 semaphore(%run_scoped3A : memref<!tpu.dma_semaphore, #tpu.memory_space<semaphore_mem>>) src(%dma_wait3A_116 : memref<10000xi32, #tpu.memory_space<hbm>>) dst(%arg7 : memref<10000xi32, #tpu.memory_space<vmem>>)
      tpu.yield
    }) : () -> ()
    %mul3A_3 = arith.constant 632 : i32
    %mul3A_4 = arith.muli %arg1, %mul3A_3 : i32
    "tpu.region"() ({
      %run_scoped3A = tpu.sem_alloc : memref<!tpu.dma_semaphore, #tpu.memory_space<semaphore_mem>>
      %dma_start3A_113 = arith.constant 0 : i32
      %dma_start3A_114 = tpu.memref_slice %arg8[%mul3A_4, %dma_start3A_113] : memref<10112x128xf32, #tpu.memory_space<vmem_shared>> -> memref<632x128xf32, #tpu.memory_space<vmem_shared>>
      tpu.enqueue_dma source(%arg5 : memref<632x128xf32, #tpu.memory_space<hbm>>) target(%dma_start3A_114 : memref<632x128xf32, #tpu.memory_space<vmem_shared>>) target_semaphore(%run_scoped3A : memref<!tpu.dma_semaphore, #tpu.memory_space<semaphore_mem>>)
      %dma_wait3A_115 = arith.constant 0 : i32
      %dma_wait3A_116 = tpu.memref_slice %arg8[%mul3A_4, %dma_wait3A_115] : memref<10112x128xf32, #tpu.memory_space<vmem_shared>> -> memref<632x128xf32, #tpu.memory_space<vmem_shared>>
      tpu.wait_dma2 semaphore(%run_scoped3A : memref<!tpu.dma_semaphore, #tpu.memory_space<semaphore_mem>>) src(%arg5 : memref<632x128xf32, #tpu.memory_space<hbm>>) dst(%dma_wait3A_116 : memref<632x128xf32, #tpu.memory_space<vmem_shared>>)
      tpu.yield
    }) : () -> ()
    %barrier3A = arith.constant 0 : index
    tpu.barrier barrier_id(%barrier3A)
    %mul3A_5 = arith.constant 125 : i32
    %mul3A_6 = arith.muli %add3A, %mul3A_5 : i32
    %add3A_7 = arith.constant 0 : i32
    %add3A_8 = arith.addi %mul3A_6, %add3A_7 : i32
    %dma_start3A = arith.constant 0 : i32
    %dma_start3A_9 = arith.constant 0 : i32
    %dma_start3A_10 = tpu.memref_slice %arg4[%add3A_8, %dma_start3A, %dma_start3A_9] : memref<4000x1x80xi32, #tpu.memory_space<hbm>> -> memref<1x1x80xi32, #tpu.memory_space<hbm>>
    %dma_start3A_11 = tpu.memref_squeeze %dma_start3A_10 : memref<1x1x80xi32, #tpu.memory_space<hbm>> -> memref<1x80xi32, #tpu.memory_space<hbm>>
    %dma_start3A_12 = arith.constant 0 : i32
    %dma_start3A_13 = arith.constant 0 : i32
    %dma_start3A_14 = tpu.memref_slice %arg4[%add3A_8, %dma_start3A_12, %dma_start3A_13] : memref<4000x1x80xi32, #tpu.memory_space<hbm>> -> memref<1x1x80xi32, #tpu.memory_space<hbm>>
    %dma_start3A_15 = tpu.memref_squeeze %dma_start3A_14 : memref<1x1x80xi32, #tpu.memory_space<hbm>> -> memref<1x80xi32, #tpu.memory_space<hbm>>
    tpu.enqueue_dma source(%dma_start3A_15 : memref<1x80xi32, #tpu.memory_space<hbm>>) target(%arg9 : memref<1x80xi32, #tpu.memory_space<vmem>>) target_semaphore(%arg21 : memref<!tpu.dma_semaphore, #tpu.memory_space<semaphore_mem>>)
    %dma_start3A_16 = arith.constant 0 : i32
    %dma_start3A_17 = tpu.memref_slice %arg7[%dma_start3A_16] : memref<10000xi32, #tpu.memory_space<vmem>> -> memref<80xi32, #tpu.memory_space<vmem>>
    %dma_start3A_18 = arith.constant 0 : i32
    %dma_start3A_19 = arith.constant 0 : i32
    %dma_start3A_20 = tpu.memref_slice %arg2[%dma_start3A_18, %dma_start3A_19] : memref<40000x128xf32, #tpu.memory_space<hbm>> -> memref<40000x128xf32, #tpu.memory_space<hbm>>
    tpu.enqueue_indirect_dma source(%dma_start3A_20 : memref<40000x128xf32, #tpu.memory_space<hbm>>) target(%arg12 : memref<80x128xf32, #tpu.memory_space<vmem>>) offsets(%dma_start3A_17 : memref<80xi32, #tpu.memory_space<vmem>>) semaphore(%arg15 : memref<!tpu.dma_semaphore, #tpu.memory_space<semaphore_mem>>)
    %add3A_21 = arith.constant 1 : i32
    %add3A_22 = arith.addi %mul3A_6, %add3A_21 : i32
    %dma_start3A_23 = arith.constant 0 : i32
    %dma_start3A_24 = arith.constant 0 : i32
    %dma_start3A_25 = tpu.memref_slice %arg4[%add3A_22, %dma_start3A_23, %dma_start3A_24] : memref<4000x1x80xi32, #tpu.memory_space<hbm>> -> memref<1x1x80xi32, #tpu.memory_space<hbm>>
    %dma_start3A_26 = tpu.memref_squeeze %dma_start3A_25 : memref<1x1x80xi32, #tpu.memory_space<hbm>> -> memref<1x80xi32, #tpu.memory_space<hbm>>
    %dma_start3A_27 = arith.constant 0 : i32
    %dma_start3A_28 = arith.constant 0 : i32
    %dma_start3A_29 = tpu.memref_slice %arg4[%add3A_22, %dma_start3A_27, %dma_start3A_28] : memref<4000x1x80xi32, #tpu.memory_space<hbm>> -> memref<1x1x80xi32, #tpu.memory_space<hbm>>
    %dma_start3A_30 = tpu.memref_squeeze %dma_start3A_29 : memref<1x1x80xi32, #tpu.memory_space<hbm>> -> memref<1x80xi32, #tpu.memory_space<hbm>>
    tpu.enqueue_dma source(%dma_start3A_30 : memref<1x80xi32, #tpu.memory_space<hbm>>) target(%arg10 : memref<1x80xi32, #tpu.memory_space<vmem>>) target_semaphore(%arg22 : memref<!tpu.dma_semaphore, #tpu.memory_space<semaphore_mem>>)
    %dma_start3A_31 = arith.constant 80 : i32
    %dma_start3A_32 = tpu.memref_slice %arg7[%dma_start3A_31] : memref<10000xi32, #tpu.memory_space<vmem>> -> memref<80xi32, #tpu.memory_space<vmem>>
    %dma_start3A_33 = arith.constant 0 : i32
    %dma_start3A_34 = arith.constant 0 : i32
    %dma_start3A_35 = tpu.memref_slice %arg2[%dma_start3A_33, %dma_start3A_34] : memref<40000x128xf32, #tpu.memory_space<hbm>> -> memref<40000x128xf32, #tpu.memory_space<hbm>>
    tpu.enqueue_indirect_dma source(%dma_start3A_35 : memref<40000x128xf32, #tpu.memory_space<hbm>>) target(%arg13 : memref<80x128xf32, #tpu.memory_space<vmem>>) offsets(%dma_start3A_32 : memref<80xi32, #tpu.memory_space<vmem>>) semaphore(%arg16 : memref<!tpu.dma_semaphore, #tpu.memory_space<semaphore_mem>>)
    %add3A_36 = arith.constant 2 : i32
    %add3A_37 = arith.addi %mul3A_6, %add3A_36 : i32
    %dma_start3A_38 = arith.constant 0 : i32
    %dma_start3A_39 = arith.constant 0 : i32
    %dma_start3A_40 = tpu.memref_slice %arg4[%add3A_37, %dma_start3A_38, %dma_start3A_39] : memref<4000x1x80xi32, #tpu.memory_space<hbm>> -> memref<1x1x80xi32, #tpu.memory_space<hbm>>
    %dma_start3A_41 = tpu.memref_squeeze %dma_start3A_40 : memref<1x1x80xi32, #tpu.memory_space<hbm>> -> memref<1x80xi32, #tpu.memory_space<hbm>>
    %dma_start3A_42 = arith.constant 0 : i32
    %dma_start3A_43 = arith.constant 0 : i32
    %dma_start3A_44 = tpu.memref_slice %arg4[%add3A_37, %dma_start3A_42, %dma_start3A_43] : memref<4000x1x80xi32, #tpu.memory_space<hbm>> -> memref<1x1x80xi32, #tpu.memory_space<hbm>>
    %dma_start3A_45 = tpu.memref_squeeze %dma_start3A_44 : memref<1x1x80xi32, #tpu.memory_space<hbm>> -> memref<1x80xi32, #tpu.memory_space<hbm>>
    tpu.enqueue_dma source(%dma_start3A_45 : memref<1x80xi32, #tpu.memory_space<hbm>>) target(%arg11 : memref<1x80xi32, #tpu.memory_space<vmem>>) target_semaphore(%arg23 : memref<!tpu.dma_semaphore, #tpu.memory_space<semaphore_mem>>)
    %dma_start3A_46 = arith.constant 160 : i32
    %dma_start3A_47 = tpu.memref_slice %arg7[%dma_start3A_46] : memref<10000xi32, #tpu.memory_space<vmem>> -> memref<80xi32, #tpu.memory_space<vmem>>
    %dma_start3A_48 = arith.constant 0 : i32
    %dma_start3A_49 = arith.constant 0 : i32
    %dma_start3A_50 = tpu.memref_slice %arg2[%dma_start3A_48, %dma_start3A_49] : memref<40000x128xf32, #tpu.memory_space<hbm>> -> memref<40000x128xf32, #tpu.memory_space<hbm>>
    tpu.enqueue_indirect_dma source(%dma_start3A_50 : memref<40000x128xf32, #tpu.memory_space<hbm>>) target(%arg14 : memref<80x128xf32, #tpu.memory_space<vmem>>) offsets(%dma_start3A_47 : memref<80xi32, #tpu.memory_space<vmem>>) semaphore(%arg17 : memref<!tpu.dma_semaphore, #tpu.memory_space<semaphore_mem>>)
    %scan3A = arith.constant 0 : i32
    %scan3A_51 = arith.constant 0 : i32
    %scan3A_52 = arith.constant 41 : i32
    %scan3A_53 = arith.addi %scan3A_51, %scan3A_52 : i32
    %scan3A_54 = arith.constant 1 : i32
    %scan3A_55 = scf.for %scan3A_113 = %scan3A_51 to %scan3A_53 step %scan3A_54 iter_args(%scan3A_114 = %scan3A) -> (i32)  : i32 {
      %mul3A_115 = arith.constant 3 : i32
      %mul3A_116 = arith.muli %scan3A_113, %mul3A_115 : i32
      %dma_wait3A_117 = arith.constant 0 : i32
      %dma_wait3A_118 = arith.constant 0 : i32
      %dma_wait3A_119 = tpu.memref_slice %arg2[%dma_wait3A_117, %dma_wait3A_118] : memref<40000x128xf32, #tpu.memory_space<hbm>> -> memref<80x128xf32, #tpu.memory_space<hbm>>
      %dma_wait3A_120 = arith.constant 0 : i32
      %dma_wait3A_121 = arith.constant 0 : i32
      %dma_wait3A_122 = tpu.memref_slice %arg2[%dma_wait3A_120, %dma_wait3A_121] : memref<40000x128xf32, #tpu.memory_space<hbm>> -> memref<80x128xf32, #tpu.memory_space<hbm>>
      tpu.wait_dma2 semaphore(%arg15 : memref<!tpu.dma_semaphore, #tpu.memory_space<semaphore_mem>>) src(%dma_wait3A_122 : memref<80x128xf32, #tpu.memory_space<hbm>>) dst(%arg12 : memref<80x128xf32, #tpu.memory_space<vmem>>)
      %dma_wait3A_123 = arith.constant 0 : i32
      %dma_wait3A_124 = arith.constant 0 : i32
      %dma_wait3A_125 = arith.constant 0 : i32
      %dma_wait3A_126 = tpu.memref_slice %arg4[%dma_wait3A_123, %dma_wait3A_124, %dma_wait3A_125] : memref<4000x1x80xi32, #tpu.memory_space<hbm>> -> memref<1x1x80xi32, #tpu.memory_space<hbm>>
      %dma_wait3A_127 = tpu.memref_squeeze %dma_wait3A_126 : memref<1x1x80xi32, #tpu.memory_space<hbm>> -> memref<1x80xi32, #tpu.memory_space<hbm>>
      %dma_wait3A_128 = arith.constant 0 : i32
      %dma_wait3A_129 = arith.constant 0 : i32
      %dma_wait3A_130 = tpu.memref_slice %arg4[%dma_wait3A_123, %dma_wait3A_128, %dma_wait3A_129] : memref<4000x1x80xi32, #tpu.memory_space<hbm>> -> memref<1x1x80xi32, #tpu.memory_space<hbm>>
      %dma_wait3A_131 = tpu.memref_squeeze %dma_wait3A_130 : memref<1x1x80xi32, #tpu.memory_space<hbm>> -> memref<1x80xi32, #tpu.memory_space<hbm>>
      tpu.wait_dma2 semaphore(%arg21 : memref<!tpu.dma_semaphore, #tpu.memory_space<semaphore_mem>>) src(%dma_wait3A_131 : memref<1x80xi32, #tpu.memory_space<hbm>>) dst(%arg9 : memref<1x80xi32, #tpu.memory_space<vmem>>)
      %dma_start3A_132 = arith.constant 0 : i32
      %dma_start3A_133 = arith.constant 0 : i32
      %dma_start3A_134 = tpu.memref_slice %arg9[%dma_start3A_132, %dma_start3A_133] : memref<1x80xi32, #tpu.memory_space<vmem>> -> memref<1x80xi32, #tpu.memory_space<vmem>>
      %dma_start3A_135 = tpu.memref_squeeze %dma_start3A_134 : memref<1x80xi32, #tpu.memory_space<vmem>> -> memref<80xi32, #tpu.memory_space<vmem>>
      %dma_start3A_136 = arith.constant 0 : i32
      %dma_start3A_137 = arith.constant 0 : i32
      %dma_start3A_138 = tpu.memref_slice %arg8[%dma_start3A_136, %dma_start3A_137] : memref<10112x128xf32, #tpu.memory_space<vmem_shared>> -> memref<10112x128xf32, #tpu.memory_space<vmem_shared>>
      tpu.enqueue_indirect_dma source(%arg12 : memref<80x128xf32, #tpu.memory_space<vmem>>) target(%dma_start3A_138 : memref<10112x128xf32, #tpu.memory_space<vmem_shared>>) offsets(%dma_start3A_135 : memref<80xi32, #tpu.memory_space<vmem>>) semaphore(%arg18 : memref<!tpu.dma_semaphore, #tpu.memory_space<semaphore_mem>>) {add = true}
      %dma_wait3A_139 = arith.constant 0 : i32
      %dma_wait3A_140 = arith.constant 0 : i32
      %dma_wait3A_141 = tpu.memref_slice %arg2[%dma_wait3A_139, %dma_wait3A_140] : memref<40000x128xf32, #tpu.memory_space<hbm>> -> memref<80x128xf32, #tpu.memory_space<hbm>>
      %dma_wait3A_142 = arith.constant 0 : i32
      %dma_wait3A_143 = arith.constant 0 : i32
      %dma_wait3A_144 = tpu.memref_slice %arg2[%dma_wait3A_142, %dma_wait3A_143] : memref<40000x128xf32, #tpu.memory_space<hbm>> -> memref<80x128xf32, #tpu.memory_space<hbm>>
      tpu.wait_dma2 semaphore(%arg16 : memref<!tpu.dma_semaphore, #tpu.memory_space<semaphore_mem>>) src(%dma_wait3A_144 : memref<80x128xf32, #tpu.memory_space<hbm>>) dst(%arg13 : memref<80x128xf32, #tpu.memory_space<vmem>>)
      %dma_wait3A_145 = arith.constant 0 : i32
      %dma_wait3A_146 = arith.constant 0 : i32
      %dma_wait3A_147 = arith.constant 0 : i32
      %dma_wait3A_148 = tpu.memref_slice %arg4[%dma_wait3A_145, %dma_wait3A_146, %dma_wait3A_147] : memref<4000x1x80xi32, #tpu.memory_space<hbm>> -> memref<1x1x80xi32, #tpu.memory_space<hbm>>
      %dma_wait3A_149 = tpu.memref_squeeze %dma_wait3A_148 : memref<1x1x80xi32, #tpu.memory_space<hbm>> -> memref<1x80xi32, #tpu.memory_space<hbm>>
      %dma_wait3A_150 = arith.constant 0 : i32
      %dma_wait3A_151 = arith.constant 0 : i32
      %dma_wait3A_152 = tpu.memref_slice %arg4[%dma_wait3A_145, %dma_wait3A_150, %dma_wait3A_151] : memref<4000x1x80xi32, #tpu.memory_space<hbm>> -> memref<1x1x80xi32, #tpu.memory_space<hbm>>
      %dma_wait3A_153 = tpu.memref_squeeze %dma_wait3A_152 : memref<1x1x80xi32, #tpu.memory_space<hbm>> -> memref<1x80xi32, #tpu.memory_space<hbm>>
      tpu.wait_dma2 semaphore(%arg22 : memref<!tpu.dma_semaphore, #tpu.memory_space<semaphore_mem>>) src(%dma_wait3A_153 : memref<1x80xi32, #tpu.memory_space<hbm>>) dst(%arg10 : memref<1x80xi32, #tpu.memory_space<vmem>>)
      %dma_start3A_154 = arith.constant 0 : i32
      %dma_start3A_155 = arith.constant 0 : i32
      %dma_start3A_156 = tpu.memref_slice %arg10[%dma_start3A_154, %dma_start3A_155] : memref<1x80xi32, #tpu.memory_space<vmem>> -> memref<1x80xi32, #tpu.memory_space<vmem>>
      %dma_start3A_157 = tpu.memref_squeeze %dma_start3A_156 : memref<1x80xi32, #tpu.memory_space<vmem>> -> memref<80xi32, #tpu.memory_space<vmem>>
      %dma_start3A_158 = arith.constant 0 : i32
      %dma_start3A_159 = arith.constant 0 : i32
      %dma_start3A_160 = tpu.memref_slice %arg8[%dma_start3A_158, %dma_start3A_159] : memref<10112x128xf32, #tpu.memory_space<vmem_shared>> -> memref<10112x128xf32, #tpu.memory_space<vmem_shared>>
      tpu.enqueue_indirect_dma source(%arg13 : memref<80x128xf32, #tpu.memory_space<vmem>>) target(%dma_start3A_160 : memref<10112x128xf32, #tpu.memory_space<vmem_shared>>) offsets(%dma_start3A_157 : memref<80xi32, #tpu.memory_space<vmem>>) semaphore(%arg19 : memref<!tpu.dma_semaphore, #tpu.memory_space<semaphore_mem>>) {add = true}
      %dma_wait3A_161 = arith.constant 0 : i32
      %dma_wait3A_162 = arith.constant 0 : i32
      %dma_wait3A_163 = tpu.memref_slice %arg2[%dma_wait3A_161, %dma_wait3A_162] : memref<40000x128xf32, #tpu.memory_space<hbm>> -> memref<80x128xf32, #tpu.memory_space<hbm>>
      %dma_wait3A_164 = arith.constant 0 : i32
      %dma_wait3A_165 = arith.constant 0 : i32
      %dma_wait3A_166 = tpu.memref_slice %arg2[%dma_wait3A_164, %dma_wait3A_165] : memref<40000x128xf32, #tpu.memory_space<hbm>> -> memref<80x128xf32, #tpu.memory_space<hbm>>
      tpu.wait_dma2 semaphore(%arg17 : memref<!tpu.dma_semaphore, #tpu.memory_space<semaphore_mem>>) src(%dma_wait3A_166 : memref<80x128xf32, #tpu.memory_space<hbm>>) dst(%arg14 : memref<80x128xf32, #tpu.memory_space<vmem>>)
      %dma_wait3A_167 = arith.constant 0 : i32
      %dma_wait3A_168 = arith.constant 0 : i32
      %dma_wait3A_169 = arith.constant 0 : i32
      %dma_wait3A_170 = tpu.memref_slice %arg4[%dma_wait3A_167, %dma_wait3A_168, %dma_wait3A_169] : memref<4000x1x80xi32, #tpu.memory_space<hbm>> -> memref<1x1x80xi32, #tpu.memory_space<hbm>>
      %dma_wait3A_171 = tpu.memref_squeeze %dma_wait3A_170 : memref<1x1x80xi32, #tpu.memory_space<hbm>> -> memref<1x80xi32, #tpu.memory_space<hbm>>
      %dma_wait3A_172 = arith.constant 0 : i32
      %dma_wait3A_173 = arith.constant 0 : i32
      %dma_wait3A_174 = tpu.memref_slice %arg4[%dma_wait3A_167, %dma_wait3A_172, %dma_wait3A_173] : memref<4000x1x80xi32, #tpu.memory_space<hbm>> -> memref<1x1x80xi32, #tpu.memory_space<hbm>>
      %dma_wait3A_175 = tpu.memref_squeeze %dma_wait3A_174 : memref<1x1x80xi32, #tpu.memory_space<hbm>> -> memref<1x80xi32, #tpu.memory_space<hbm>>
      tpu.wait_dma2 semaphore(%arg23 : memref<!tpu.dma_semaphore, #tpu.memory_space<semaphore_mem>>) src(%dma_wait3A_175 : memref<1x80xi32, #tpu.memory_space<hbm>>) dst(%arg11 : memref<1x80xi32, #tpu.memory_space<vmem>>)
      %dma_start3A_176 = arith.constant 0 : i32
      %dma_start3A_177 = arith.constant 0 : i32
      %dma_start3A_178 = tpu.memref_slice %arg11[%dma_start3A_176, %dma_start3A_177] : memref<1x80xi32, #tpu.memory_space<vmem>> -> memref<1x80xi32, #tpu.memory_space<vmem>>
      %dma_start3A_179 = tpu.memref_squeeze %dma_start3A_178 : memref<1x80xi32, #tpu.memory_space<vmem>> -> memref<80xi32, #tpu.memory_space<vmem>>
      %dma_start3A_180 = arith.constant 0 : i32
      %dma_start3A_181 = arith.constant 0 : i32
      %dma_start3A_182 = tpu.memref_slice %arg8[%dma_start3A_180, %dma_start3A_181] : memref<10112x128xf32, #tpu.memory_space<vmem_shared>> -> memref<10112x128xf32, #tpu.memory_space<vmem_shared>>
      tpu.enqueue_indirect_dma source(%arg14 : memref<80x128xf32, #tpu.memory_space<vmem>>) target(%dma_start3A_182 : memref<10112x128xf32, #tpu.memory_space<vmem_shared>>) offsets(%dma_start3A_179 : memref<80xi32, #tpu.memory_space<vmem>>) semaphore(%arg20 : memref<!tpu.dma_semaphore, #tpu.memory_space<semaphore_mem>>) {add = true}
      %add3A_183 = arith.constant 0 : i32
      %add3A_184 = arith.addi %mul3A_116, %add3A_183 : i32
      %dma_wait3A_185 = arith.constant 0 : i32
      %dma_wait3A_186 = arith.constant 0 : i32
      %dma_wait3A_187 = tpu.memref_slice %arg2[%dma_wait3A_185, %dma_wait3A_186] : memref<40000x128xf32, #tpu.memory_space<hbm>> -> memref<80x128xf32, #tpu.memory_space<hbm>>
      %dma_wait3A_188 = arith.constant 0 : i32
      %dma_wait3A_189 = arith.constant 0 : i32
      %dma_wait3A_190 = tpu.memref_slice %arg2[%dma_wait3A_188, %dma_wait3A_189] : memref<40000x128xf32, #tpu.memory_space<hbm>> -> memref<80x128xf32, #tpu.memory_space<hbm>>
      tpu.wait_dma2 semaphore(%arg18 : memref<!tpu.dma_semaphore, #tpu.memory_space<semaphore_mem>>) src(%dma_wait3A_190 : memref<80x128xf32, #tpu.memory_space<hbm>>) dst(%arg12 : memref<80x128xf32, #tpu.memory_space<vmem>>)
      %add3A_191 = arith.constant 3 : i32
      %add3A_192 = arith.addi %add3A_184, %add3A_191 : i32
      %lt3A = arith.constant 125 : i32
      %lt3A_193 = arith.cmpi slt, %add3A_192, %lt3A : i32
      %convert_element_type3A = arith.extui %lt3A_193 : i1 to i32
      %cond3A = arith.constant 0 : i32
      %cond3A_194 = arith.cmpi ne, %convert_element_type3A, %cond3A : i32
      scf.if %cond3A_194 {
        %add3A_226 = arith.constant 3 : i32
        %add3A_227 = arith.addi %add3A_184, %add3A_226 : i32
        %mul3A_228 = arith.constant 80 : i32
        %mul3A_229 = arith.muli %add3A_227, %mul3A_228 : i32
        %dma_start3A_230 = tpu.memref_slice %arg7[%mul3A_229] : memref<10000xi32, #tpu.memory_space<vmem>> -> memref<80xi32, #tpu.memory_space<vmem>>
        %dma_start3A_231 = arith.constant 0 : i32
        %dma_start3A_232 = arith.constant 0 : i32
        %dma_start3A_233 = tpu.memref_slice %arg2[%dma_start3A_231, %dma_start3A_232] : memref<40000x128xf32, #tpu.memory_space<hbm>> -> memref<40000x128xf32, #tpu.memory_space<hbm>>
        tpu.enqueue_indirect_dma source(%dma_start3A_233 : memref<40000x128xf32, #tpu.memory_space<hbm>>) target(%arg12 : memref<80x128xf32, #tpu.memory_space<vmem>>) offsets(%dma_start3A_230 : memref<80xi32, #tpu.memory_space<vmem>>) semaphore(%arg15 : memref<!tpu.dma_semaphore, #tpu.memory_space<semaphore_mem>>)
        %add3A_234 = arith.addi %mul3A_6, %add3A_184 : i32
        %add3A_235 = arith.constant 3 : i32
        %add3A_236 = arith.addi %add3A_234, %add3A_235 : i32
        %dma_start3A_237 = arith.constant 0 : i32
        %dma_start3A_238 = arith.constant 0 : i32
        %dma_start3A_239 = tpu.memref_slice %arg4[%add3A_236, %dma_start3A_237, %dma_start3A_238] : memref<4000x1x80xi32, #tpu.memory_space<hbm>> -> memref<1x1x80xi32, #tpu.memory_space<hbm>>
        %dma_start3A_240 = tpu.memref_squeeze %dma_start3A_239 : memref<1x1x80xi32, #tpu.memory_space<hbm>> -> memref<1x80xi32, #tpu.memory_space<hbm>>
        %dma_start3A_241 = arith.constant 0 : i32
        %dma_start3A_242 = arith.constant 0 : i32
        %dma_start3A_243 = tpu.memref_slice %arg4[%add3A_236, %dma_start3A_241, %dma_start3A_242] : memref<4000x1x80xi32, #tpu.memory_space<hbm>> -> memref<1x1x80xi32, #tpu.memory_space<hbm>>
        %dma_start3A_244 = tpu.memref_squeeze %dma_start3A_243 : memref<1x1x80xi32, #tpu.memory_space<hbm>> -> memref<1x80xi32, #tpu.memory_space<hbm>>
        tpu.enqueue_dma source(%dma_start3A_244 : memref<1x80xi32, #tpu.memory_space<hbm>>) target(%arg9 : memref<1x80xi32, #tpu.memory_space<vmem>>) target_semaphore(%arg21 : memref<!tpu.dma_semaphore, #tpu.memory_space<semaphore_mem>>)
      } else {
      }
      %add3A_195 = arith.constant 1 : i32
      %add3A_196 = arith.addi %mul3A_116, %add3A_195 : i32
      %dma_wait3A_197 = arith.constant 0 : i32
      %dma_wait3A_198 = arith.constant 0 : i32
      %dma_wait3A_199 = tpu.memref_slice %arg2[%dma_wait3A_197, %dma_wait3A_198] : memref<40000x128xf32, #tpu.memory_space<hbm>> -> memref<80x128xf32, #tpu.memory_space<hbm>>
      %dma_wait3A_200 = arith.constant 0 : i32
      %dma_wait3A_201 = arith.constant 0 : i32
      %dma_wait3A_202 = tpu.memref_slice %arg2[%dma_wait3A_200, %dma_wait3A_201] : memref<40000x128xf32, #tpu.memory_space<hbm>> -> memref<80x128xf32, #tpu.memory_space<hbm>>
      tpu.wait_dma2 semaphore(%arg19 : memref<!tpu.dma_semaphore, #tpu.memory_space<semaphore_mem>>) src(%dma_wait3A_202 : memref<80x128xf32, #tpu.memory_space<hbm>>) dst(%arg13 : memref<80x128xf32, #tpu.memory_space<vmem>>)
      %add3A_203 = arith.constant 3 : i32
      %add3A_204 = arith.addi %add3A_196, %add3A_203 : i32
      %lt3A_205 = arith.constant 125 : i32
      %lt3A_206 = arith.cmpi slt, %add3A_204, %lt3A_205 : i32
      %convert_element_type3A_207 = arith.extui %lt3A_206 : i1 to i32
      %cond3A_208 = arith.constant 0 : i32
      %cond3A_209 = arith.cmpi ne, %convert_element_type3A_207, %cond3A_208 : i32
      scf.if %cond3A_209 {
        %add3A_226 = arith.constant 3 : i32
        %add3A_227 = arith.addi %add3A_196, %add3A_226 : i32
        %mul3A_228 = arith.constant 80 : i32
        %mul3A_229 = arith.muli %add3A_227, %mul3A_228 : i32
        %dma_start3A_230 = tpu.memref_slice %arg7[%mul3A_229] : memref<10000xi32, #tpu.memory_space<vmem>> -> memref<80xi32, #tpu.memory_space<vmem>>
        %dma_start3A_231 = arith.constant 0 : i32
        %dma_start3A_232 = arith.constant 0 : i32
        %dma_start3A_233 = tpu.memref_slice %arg2[%dma_start3A_231, %dma_start3A_232] : memref<40000x128xf32, #tpu.memory_space<hbm>> -> memref<40000x128xf32, #tpu.memory_space<hbm>>
        tpu.enqueue_indirect_dma source(%dma_start3A_233 : memref<40000x128xf32, #tpu.memory_space<hbm>>) target(%arg13 : memref<80x128xf32, #tpu.memory_space<vmem>>) offsets(%dma_start3A_230 : memref<80xi32, #tpu.memory_space<vmem>>) semaphore(%arg16 : memref<!tpu.dma_semaphore, #tpu.memory_space<semaphore_mem>>)
        %add3A_234 = arith.addi %mul3A_6, %add3A_196 : i32
        %add3A_235 = arith.constant 3 : i32
        %add3A_236 = arith.addi %add3A_234, %add3A_235 : i32
        %dma_start3A_237 = arith.constant 0 : i32
        %dma_start3A_238 = arith.constant 0 : i32
        %dma_start3A_239 = tpu.memref_slice %arg4[%add3A_236, %dma_start3A_237, %dma_start3A_238] : memref<4000x1x80xi32, #tpu.memory_space<hbm>> -> memref<1x1x80xi32, #tpu.memory_space<hbm>>
        %dma_start3A_240 = tpu.memref_squeeze %dma_start3A_239 : memref<1x1x80xi32, #tpu.memory_space<hbm>> -> memref<1x80xi32, #tpu.memory_space<hbm>>
        %dma_start3A_241 = arith.constant 0 : i32
        %dma_start3A_242 = arith.constant 0 : i32
        %dma_start3A_243 = tpu.memref_slice %arg4[%add3A_236, %dma_start3A_241, %dma_start3A_242] : memref<4000x1x80xi32, #tpu.memory_space<hbm>> -> memref<1x1x80xi32, #tpu.memory_space<hbm>>
        %dma_start3A_244 = tpu.memref_squeeze %dma_start3A_243 : memref<1x1x80xi32, #tpu.memory_space<hbm>> -> memref<1x80xi32, #tpu.memory_space<hbm>>
        tpu.enqueue_dma source(%dma_start3A_244 : memref<1x80xi32, #tpu.memory_space<hbm>>) target(%arg10 : memref<1x80xi32, #tpu.memory_space<vmem>>) target_semaphore(%arg22 : memref<!tpu.dma_semaphore, #tpu.memory_space<semaphore_mem>>)
      } else {
      }
      %add3A_210 = arith.constant 2 : i32
      %add3A_211 = arith.addi %mul3A_116, %add3A_210 : i32
      %dma_wait3A_212 = arith.constant 0 : i32
      %dma_wait3A_213 = arith.constant 0 : i32
      %dma_wait3A_214 = tpu.memref_slice %arg2[%dma_wait3A_212, %dma_wait3A_213] : memref<40000x128xf32, #tpu.memory_space<hbm>> -> memref<80x128xf32, #tpu.memory_space<hbm>>
      %dma_wait3A_215 = arith.constant 0 : i32
      %dma_wait3A_216 = arith.constant 0 : i32
      %dma_wait3A_217 = tpu.memref_slice %arg2[%dma_wait3A_215, %dma_wait3A_216] : memref<40000x128xf32, #tpu.memory_space<hbm>> -> memref<80x128xf32, #tpu.memory_space<hbm>>
      tpu.wait_dma2 semaphore(%arg20 : memref<!tpu.dma_semaphore, #tpu.memory_space<semaphore_mem>>) src(%dma_wait3A_217 : memref<80x128xf32, #tpu.memory_space<hbm>>) dst(%arg14 : memref<80x128xf32, #tpu.memory_space<vmem>>)
      %add3A_218 = arith.constant 3 : i32
      %add3A_219 = arith.addi %add3A_211, %add3A_218 : i32
      %lt3A_220 = arith.constant 125 : i32
      %lt3A_221 = arith.cmpi slt, %add3A_219, %lt3A_220 : i32
      %convert_element_type3A_222 = arith.extui %lt3A_221 : i1 to i32
      %cond3A_223 = arith.constant 0 : i32
      %cond3A_224 = arith.cmpi ne, %convert_element_type3A_222, %cond3A_223 : i32
      scf.if %cond3A_224 {
        %add3A_226 = arith.constant 3 : i32
        %add3A_227 = arith.addi %add3A_211, %add3A_226 : i32
        %mul3A_228 = arith.constant 80 : i32
        %mul3A_229 = arith.muli %add3A_227, %mul3A_228 : i32
        %dma_start3A_230 = tpu.memref_slice %arg7[%mul3A_229] : memref<10000xi32, #tpu.memory_space<vmem>> -> memref<80xi32, #tpu.memory_space<vmem>>
        %dma_start3A_231 = arith.constant 0 : i32
        %dma_start3A_232 = arith.constant 0 : i32
        %dma_start3A_233 = tpu.memref_slice %arg2[%dma_start3A_231, %dma_start3A_232] : memref<40000x128xf32, #tpu.memory_space<hbm>> -> memref<40000x128xf32, #tpu.memory_space<hbm>>
        tpu.enqueue_indirect_dma source(%dma_start3A_233 : memref<40000x128xf32, #tpu.memory_space<hbm>>) target(%arg14 : memref<80x128xf32, #tpu.memory_space<vmem>>) offsets(%dma_start3A_230 : memref<80xi32, #tpu.memory_space<vmem>>) semaphore(%arg17 : memref<!tpu.dma_semaphore, #tpu.memory_space<semaphore_mem>>)
        %add3A_234 = arith.addi %mul3A_6, %add3A_211 : i32
        %add3A_235 = arith.constant 3 : i32
        %add3A_236 = arith.addi %add3A_234, %add3A_235 : i32
        %dma_start3A_237 = arith.constant 0 : i32
        %dma_start3A_238 = arith.constant 0 : i32
        %dma_start3A_239 = tpu.memref_slice %arg4[%add3A_236, %dma_start3A_237, %dma_start3A_238] : memref<4000x1x80xi32, #tpu.memory_space<hbm>> -> memref<1x1x80xi32, #tpu.memory_space<hbm>>
        %dma_start3A_240 = tpu.memref_squeeze %dma_start3A_239 : memref<1x1x80xi32, #tpu.memory_space<hbm>> -> memref<1x80xi32, #tpu.memory_space<hbm>>
        %dma_start3A_241 = arith.constant 0 : i32
        %dma_start3A_242 = arith.constant 0 : i32
        %dma_start3A_243 = tpu.memref_slice %arg4[%add3A_236, %dma_start3A_241, %dma_start3A_242] : memref<4000x1x80xi32, #tpu.memory_space<hbm>> -> memref<1x1x80xi32, #tpu.memory_space<hbm>>
        %dma_start3A_244 = tpu.memref_squeeze %dma_start3A_243 : memref<1x1x80xi32, #tpu.memory_space<hbm>> -> memref<1x80xi32, #tpu.memory_space<hbm>>
        tpu.enqueue_dma source(%dma_start3A_244 : memref<1x80xi32, #tpu.memory_space<hbm>>) target(%arg11 : memref<1x80xi32, #tpu.memory_space<vmem>>) target_semaphore(%arg23 : memref<!tpu.dma_semaphore, #tpu.memory_space<semaphore_mem>>)
      } else {
      }
      %scan3A_225 = arith.constant 0 : i32
      scf.yield %scan3A_225 : i32
    }
    %scan3A_56 = arith.constant 41 : i32
    %dma_wait3A = arith.constant 0 : i32
    %dma_wait3A_57 = arith.constant 0 : i32
    %dma_wait3A_58 = tpu.memref_slice %arg2[%dma_wait3A, %dma_wait3A_57] : memref<40000x128xf32, #tpu.memory_space<hbm>> -> memref<80x128xf32, #tpu.memory_space<hbm>>
    %dma_wait3A_59 = arith.constant 0 : i32
    %dma_wait3A_60 = arith.constant 0 : i32
    %dma_wait3A_61 = tpu.memref_slice %arg2[%dma_wait3A_59, %dma_wait3A_60] : memref<40000x128xf32, #tpu.memory_space<hbm>> -> memref<80x128xf32, #tpu.memory_space<hbm>>
    tpu.wait_dma2 semaphore(%arg15 : memref<!tpu.dma_semaphore, #tpu.memory_space<semaphore_mem>>) src(%dma_wait3A_61 : memref<80x128xf32, #tpu.memory_space<hbm>>) dst(%arg12 : memref<80x128xf32, #tpu.memory_space<vmem>>)
    %dma_wait3A_62 = arith.constant 0 : i32
    %dma_wait3A_63 = arith.constant 0 : i32
    %dma_wait3A_64 = arith.constant 0 : i32
    %dma_wait3A_65 = tpu.memref_slice %arg4[%dma_wait3A_62, %dma_wait3A_63, %dma_wait3A_64] : memref<4000x1x80xi32, #tpu.memory_space<hbm>> -> memref<1x1x80xi32, #tpu.memory_space<hbm>>
    %dma_wait3A_66 = tpu.memref_squeeze %dma_wait3A_65 : memref<1x1x80xi32, #tpu.memory_space<hbm>> -> memref<1x80xi32, #tpu.memory_space<hbm>>
    %dma_wait3A_67 = arith.constant 0 : i32
    %dma_wait3A_68 = arith.constant 0 : i32
    %dma_wait3A_69 = tpu.memref_slice %arg4[%dma_wait3A_62, %dma_wait3A_67, %dma_wait3A_68] : memref<4000x1x80xi32, #tpu.memory_space<hbm>> -> memref<1x1x80xi32, #tpu.memory_space<hbm>>
    %dma_wait3A_70 = tpu.memref_squeeze %dma_wait3A_69 : memref<1x1x80xi32, #tpu.memory_space<hbm>> -> memref<1x80xi32, #tpu.memory_space<hbm>>
    tpu.wait_dma2 semaphore(%arg21 : memref<!tpu.dma_semaphore, #tpu.memory_space<semaphore_mem>>) src(%dma_wait3A_70 : memref<1x80xi32, #tpu.memory_space<hbm>>) dst(%arg9 : memref<1x80xi32, #tpu.memory_space<vmem>>)
    %dma_start3A_71 = arith.constant 0 : i32
    %dma_start3A_72 = arith.constant 0 : i32
    %dma_start3A_73 = tpu.memref_slice %arg9[%dma_start3A_71, %dma_start3A_72] : memref<1x80xi32, #tpu.memory_space<vmem>> -> memref<1x80xi32, #tpu.memory_space<vmem>>
    %dma_start3A_74 = tpu.memref_squeeze %dma_start3A_73 : memref<1x80xi32, #tpu.memory_space<vmem>> -> memref<80xi32, #tpu.memory_space<vmem>>
    %dma_start3A_75 = arith.constant 0 : i32
    %dma_start3A_76 = arith.constant 0 : i32
    %dma_start3A_77 = tpu.memref_slice %arg8[%dma_start3A_75, %dma_start3A_76] : memref<10112x128xf32, #tpu.memory_space<vmem_shared>> -> memref<10112x128xf32, #tpu.memory_space<vmem_shared>>
    tpu.enqueue_indirect_dma source(%arg12 : memref<80x128xf32, #tpu.memory_space<vmem>>) target(%dma_start3A_77 : memref<10112x128xf32, #tpu.memory_space<vmem_shared>>) offsets(%dma_start3A_74 : memref<80xi32, #tpu.memory_space<vmem>>) semaphore(%arg18 : memref<!tpu.dma_semaphore, #tpu.memory_space<semaphore_mem>>) {add = true}
    %dma_wait3A_78 = arith.constant 0 : i32
    %dma_wait3A_79 = arith.constant 0 : i32
    %dma_wait3A_80 = tpu.memref_slice %arg2[%dma_wait3A_78, %dma_wait3A_79] : memref<40000x128xf32, #tpu.memory_space<hbm>> -> memref<80x128xf32, #tpu.memory_space<hbm>>
    %dma_wait3A_81 = arith.constant 0 : i32
    %dma_wait3A_82 = arith.constant 0 : i32
    %dma_wait3A_83 = tpu.memref_slice %arg2[%dma_wait3A_81, %dma_wait3A_82] : memref<40000x128xf32, #tpu.memory_space<hbm>> -> memref<80x128xf32, #tpu.memory_space<hbm>>
    tpu.wait_dma2 semaphore(%arg16 : memref<!tpu.dma_semaphore, #tpu.memory_space<semaphore_mem>>) src(%dma_wait3A_83 : memref<80x128xf32, #tpu.memory_space<hbm>>) dst(%arg13 : memref<80x128xf32, #tpu.memory_space<vmem>>)
    %dma_wait3A_84 = arith.constant 0 : i32
    %dma_wait3A_85 = arith.constant 0 : i32
    %dma_wait3A_86 = arith.constant 0 : i32
    %dma_wait3A_87 = tpu.memref_slice %arg4[%dma_wait3A_84, %dma_wait3A_85, %dma_wait3A_86] : memref<4000x1x80xi32, #tpu.memory_space<hbm>> -> memref<1x1x80xi32, #tpu.memory_space<hbm>>
    %dma_wait3A_88 = tpu.memref_squeeze %dma_wait3A_87 : memref<1x1x80xi32, #tpu.memory_space<hbm>> -> memref<1x80xi32, #tpu.memory_space<hbm>>
    %dma_wait3A_89 = arith.constant 0 : i32
    %dma_wait3A_90 = arith.constant 0 : i32
    %dma_wait3A_91 = tpu.memref_slice %arg4[%dma_wait3A_84, %dma_wait3A_89, %dma_wait3A_90] : memref<4000x1x80xi32, #tpu.memory_space<hbm>> -> memref<1x1x80xi32, #tpu.memory_space<hbm>>
    %dma_wait3A_92 = tpu.memref_squeeze %dma_wait3A_91 : memref<1x1x80xi32, #tpu.memory_space<hbm>> -> memref<1x80xi32, #tpu.memory_space<hbm>>
    tpu.wait_dma2 semaphore(%arg22 : memref<!tpu.dma_semaphore, #tpu.memory_space<semaphore_mem>>) src(%dma_wait3A_92 : memref<1x80xi32, #tpu.memory_space<hbm>>) dst(%arg10 : memref<1x80xi32, #tpu.memory_space<vmem>>)
    %dma_start3A_93 = arith.constant 0 : i32
    %dma_start3A_94 = arith.constant 0 : i32
    %dma_start3A_95 = tpu.memref_slice %arg10[%dma_start3A_93, %dma_start3A_94] : memref<1x80xi32, #tpu.memory_space<vmem>> -> memref<1x80xi32, #tpu.memory_space<vmem>>
    %dma_start3A_96 = tpu.memref_squeeze %dma_start3A_95 : memref<1x80xi32, #tpu.memory_space<vmem>> -> memref<80xi32, #tpu.memory_space<vmem>>
    %dma_start3A_97 = arith.constant 0 : i32
    %dma_start3A_98 = arith.constant 0 : i32
    %dma_start3A_99 = tpu.memref_slice %arg8[%dma_start3A_97, %dma_start3A_98] : memref<10112x128xf32, #tpu.memory_space<vmem_shared>> -> memref<10112x128xf32, #tpu.memory_space<vmem_shared>>
    tpu.enqueue_indirect_dma source(%arg13 : memref<80x128xf32, #tpu.memory_space<vmem>>) target(%dma_start3A_99 : memref<10112x128xf32, #tpu.memory_space<vmem_shared>>) offsets(%dma_start3A_96 : memref<80xi32, #tpu.memory_space<vmem>>) semaphore(%arg19 : memref<!tpu.dma_semaphore, #tpu.memory_space<semaphore_mem>>) {add = true}
    %dma_wait3A_100 = arith.constant 0 : i32
    %dma_wait3A_101 = arith.constant 0 : i32
    %dma_wait3A_102 = tpu.memref_slice %arg2[%dma_wait3A_100, %dma_wait3A_101] : memref<40000x128xf32, #tpu.memory_space<hbm>> -> memref<80x128xf32, #tpu.memory_space<hbm>>
    %dma_wait3A_103 = arith.constant 0 : i32
    %dma_wait3A_104 = arith.constant 0 : i32
    %dma_wait3A_105 = tpu.memref_slice %arg2[%dma_wait3A_103, %dma_wait3A_104] : memref<40000x128xf32, #tpu.memory_space<hbm>> -> memref<80x128xf32, #tpu.memory_space<hbm>>
    tpu.wait_dma2 semaphore(%arg18 : memref<!tpu.dma_semaphore, #tpu.memory_space<semaphore_mem>>) src(%dma_wait3A_105 : memref<80x128xf32, #tpu.memory_space<hbm>>) dst(%arg12 : memref<80x128xf32, #tpu.memory_space<vmem>>)
    %dma_wait3A_106 = arith.constant 0 : i32
    %dma_wait3A_107 = arith.constant 0 : i32
    %dma_wait3A_108 = tpu.memref_slice %arg2[%dma_wait3A_106, %dma_wait3A_107] : memref<40000x128xf32, #tpu.memory_space<hbm>> -> memref<80x128xf32, #tpu.memory_space<hbm>>
    %dma_wait3A_109 = arith.constant 0 : i32
    %dma_wait3A_110 = arith.constant 0 : i32
    %dma_wait3A_111 = tpu.memref_slice %arg2[%dma_wait3A_109, %dma_wait3A_110] : memref<40000x128xf32, #tpu.memory_space<hbm>> -> memref<80x128xf32, #tpu.memory_space<hbm>>
    tpu.wait_dma2 semaphore(%arg19 : memref<!tpu.dma_semaphore, #tpu.memory_space<semaphore_mem>>) src(%dma_wait3A_111 : memref<80x128xf32, #tpu.memory_space<hbm>>) dst(%arg13 : memref<80x128xf32, #tpu.memory_space<vmem>>)
    %barrier3A_112 = arith.constant 0 : index
    tpu.barrier barrier_id(%barrier3A_112)
    "tpu.region"() ({
      %run_scoped3A = tpu.sem_alloc : memref<!tpu.dma_semaphore, #tpu.memory_space<semaphore_mem>>
      %dma_start3A_113 = arith.constant 0 : i32
      %dma_start3A_114 = arith.constant 0 : i32
      %dma_start3A_115 = tpu.memref_slice %arg6[%arg0, %arg1, %dma_start3A_113, %dma_start3A_114] : memref<2x16x632x128xf32, #tpu.memory_space<hbm>> -> memref<1x1x632x128xf32, #tpu.memory_space<hbm>>
      %dma_start3A_116 = tpu.memref_squeeze %dma_start3A_115 : memref<1x1x632x128xf32, #tpu.memory_space<hbm>> -> memref<632x128xf32, #tpu.memory_space<hbm>>
      %dma_start3A_117 = arith.constant 0 : i32
      %dma_start3A_118 = tpu.memref_slice %arg8[%mul3A_4, %dma_start3A_117] : memref<10112x128xf32, #tpu.memory_space<vmem_shared>> -> memref<632x128xf32, #tpu.memory_space<vmem_shared>>
      tpu.enqueue_dma source(%dma_start3A_118 : memref<632x128xf32, #tpu.memory_space<vmem_shared>>) target(%dma_start3A_116 : memref<632x128xf32, #tpu.memory_space<hbm>>) target_semaphore(%run_scoped3A : memref<!tpu.dma_semaphore, #tpu.memory_space<semaphore_mem>>)
      %dma_wait3A_119 = arith.constant 0 : i32
      %dma_wait3A_120 = arith.constant 0 : i32
      %dma_wait3A_121 = tpu.memref_slice %arg6[%arg0, %arg1, %dma_wait3A_119, %dma_wait3A_120] : memref<2x16x632x128xf32, #tpu.memory_space<hbm>> -> memref<1x1x632x128xf32, #tpu.memory_space<hbm>>
      %dma_wait3A_122 = tpu.memref_squeeze %dma_wait3A_121 : memref<1x1x632x128xf32, #tpu.memory_space<hbm>> -> memref<632x128xf32, #tpu.memory_space<hbm>>
      %dma_wait3A_123 = arith.constant 0 : i32
      %dma_wait3A_124 = tpu.memref_slice %arg8[%mul3A_4, %dma_wait3A_123] : memref<10112x128xf32, #tpu.memory_space<vmem_shared>> -> memref<632x128xf32, #tpu.memory_space<vmem_shared>>
      tpu.wait_dma2 semaphore(%run_scoped3A : memref<!tpu.dma_semaphore, #tpu.memory_space<semaphore_mem>>) src(%dma_wait3A_124 : memref<632x128xf32, #tpu.memory_space<vmem_shared>>) dst(%dma_wait3A_122 : memref<632x128xf32, #tpu.memory_space<hbm>>)
      tpu.yield
    }) : () -> ()
    return
  }
}

module attributes {stable_mosaic.version = 14 : i64} {
  func.func @_msg_body(%arg0: i32, %arg1: memref<2000x128xf32, #tpu.memory_space<vmem>>, %arg2: memref<4x128x128xf32, #tpu.memory_space<vmem>>, %arg3: memref<4x1x128xf32, #tpu.memory_space<vmem>>, %arg4: memref<4x2000x128xf32, #tpu.memory_space<vmem>>) attributes {dimension_semantics = [#tpu.dimension_semantics<arbitrary>], iteration_bounds = array<i64: 5>, scalar_prefetch = 0 : i64, scratch_operands = 0 : i64, tpu.core_type = #tpu.core_type<tc>, window_params = [{transform_indices = @transform_0, window_bounds = array<i64: 2000, 128>}, {pipeline_mode = #tpu.pipeline_mode<synchronous>, transform_indices = @transform_1, window_bounds = array<i64: 4, 128, 128>}, {pipeline_mode = #tpu.pipeline_mode<synchronous>, transform_indices = @transform_2, window_bounds = array<i64: 4, 1, 128>}, {transform_indices = @transform_3, window_bounds = array<i64: 4, 2000, 128>}]} {
    %get3A = arith.constant 0 : index
    %get3A_0 = arith.constant 0 : index
    %get3A_1 = vector.load %arg1[%get3A, %get3A_0] : memref<2000x128xf32, #tpu.memory_space<vmem>>, vector<2000x128xf32>
    %get3A_2 = arith.constant 0 : index
    %get3A_3 = arith.constant 0 : index
    %get3A_4 = arith.constant 0 : index
    %get3A_5 = vector.load %arg2[%get3A_2, %get3A_3, %get3A_4] : memref<4x128x128xf32, #tpu.memory_space<vmem>>, vector<1x128x128xf32>
    %get3A_6 = vector.shape_cast %get3A_5 : vector<1x128x128xf32> to vector<128x128xf32>
    %dot_general3A = arith.constant dense<0.000000e+00> : vector<2000x128xf32>
    %dot_general3A_7 = tpu.matmul %get3A_1, %get3A_6, %dot_general3A {dimension_numbers = #tpu.dot_dimension_numbers<[1], [0], [0], [1], [0, 0, 1, 1], [], []>, transpose_lhs_hint = false} : vector<2000x128xf32>, vector<128x128xf32>, vector<2000x128xf32> -> vector<2000x128xf32>
    %get3A_8 = arith.constant 0 : index
    %get3A_9 = arith.constant 0 : index
    %get3A_10 = arith.constant 0 : index
    %get3A_11 = vector.load %arg3[%get3A_8, %get3A_9, %get3A_10] : memref<4x1x128xf32, #tpu.memory_space<vmem>>, vector<1x1x128xf32>
    %get3A_12 = vector.shape_cast %get3A_11 : vector<1x1x128xf32> to vector<1x128xf32>
    %add3A = vector.broadcast %get3A_12 : vector<1x128xf32> to vector<2000x128xf32>
    %add3A_13 = arith.addf %dot_general3A_7, %add3A : vector<2000x128xf32>
    %swap3A = arith.constant 0 : index
    %swap3A_14 = arith.constant 0 : index
    %swap3A_15 = arith.constant 0 : index
    %swap3A_16 = vector.load %arg4[%swap3A, %swap3A_14, %swap3A_15] : memref<4x2000x128xf32, #tpu.memory_space<vmem>>, vector<1x2000x128xf32>
    %swap3A_17 = vector.shape_cast %swap3A_16 : vector<1x2000x128xf32> to vector<2000x128xf32>
    %swap3A_18 = vector.shape_cast %add3A_13 : vector<2000x128xf32> to vector<1x2000x128xf32>
    tpu.vector_store %arg4[%swap3A, %swap3A_14, %swap3A_15], %swap3A_18 {strides = array<i32>} : memref<4x2000x128xf32, #tpu.memory_space<vmem>>, vector<1x2000x128xf32>,
    %get3A_19 = arith.constant 1 : index
    %get3A_20 = arith.constant 0 : index
    %get3A_21 = arith.constant 0 : index
    %get3A_22 = vector.load %arg2[%get3A_19, %get3A_20, %get3A_21] : memref<4x128x128xf32, #tpu.memory_space<vmem>>, vector<1x128x128xf32>
    %get3A_23 = vector.shape_cast %get3A_22 : vector<1x128x128xf32> to vector<128x128xf32>
    %dot_general3A_24 = arith.constant dense<0.000000e+00> : vector<2000x128xf32>
    %dot_general3A_25 = tpu.matmul %get3A_1, %get3A_23, %dot_general3A_24 {dimension_numbers = #tpu.dot_dimension_numbers<[1], [0], [0], [1], [0, 0, 1, 1], [], []>, transpose_lhs_hint = false} : vector<2000x128xf32>, vector<128x128xf32>, vector<2000x128xf32> -> vector<2000x128xf32>
    %get3A_26 = arith.constant 1 : index
    %get3A_27 = arith.constant 0 : index
    %get3A_28 = arith.constant 0 : index
    %get3A_29 = vector.load %arg3[%get3A_26, %get3A_27, %get3A_28] : memref<4x1x128xf32, #tpu.memory_space<vmem>>, vector<1x1x128xf32>
    %get3A_30 = vector.shape_cast %get3A_29 : vector<1x1x128xf32> to vector<1x128xf32>
    %add3A_31 = vector.broadcast %get3A_30 : vector<1x128xf32> to vector<2000x128xf32>
    %add3A_32 = arith.addf %dot_general3A_25, %add3A_31 : vector<2000x128xf32>
    %swap3A_33 = arith.constant 1 : index
    %swap3A_34 = arith.constant 0 : index
    %swap3A_35 = arith.constant 0 : index
    %swap3A_36 = vector.load %arg4[%swap3A_33, %swap3A_34, %swap3A_35] : memref<4x2000x128xf32, #tpu.memory_space<vmem>>, vector<1x2000x128xf32>
    %swap3A_37 = vector.shape_cast %swap3A_36 : vector<1x2000x128xf32> to vector<2000x128xf32>
    %swap3A_38 = vector.shape_cast %add3A_32 : vector<2000x128xf32> to vector<1x2000x128xf32>
    tpu.vector_store %arg4[%swap3A_33, %swap3A_34, %swap3A_35], %swap3A_38 {strides = array<i32>} : memref<4x2000x128xf32, #tpu.memory_space<vmem>>, vector<1x2000x128xf32>,
    %get3A_39 = arith.constant 2 : index
    %get3A_40 = arith.constant 0 : index
    %get3A_41 = arith.constant 0 : index
    %get3A_42 = vector.load %arg2[%get3A_39, %get3A_40, %get3A_41] : memref<4x128x128xf32, #tpu.memory_space<vmem>>, vector<1x128x128xf32>
    %get3A_43 = vector.shape_cast %get3A_42 : vector<1x128x128xf32> to vector<128x128xf32>
    %dot_general3A_44 = arith.constant dense<0.000000e+00> : vector<2000x128xf32>
    %dot_general3A_45 = tpu.matmul %get3A_1, %get3A_43, %dot_general3A_44 {dimension_numbers = #tpu.dot_dimension_numbers<[1], [0], [0], [1], [0, 0, 1, 1], [], []>, transpose_lhs_hint = false} : vector<2000x128xf32>, vector<128x128xf32>, vector<2000x128xf32> -> vector<2000x128xf32>
    %get3A_46 = arith.constant 2 : index
    %get3A_47 = arith.constant 0 : index
    %get3A_48 = arith.constant 0 : index
    %get3A_49 = vector.load %arg3[%get3A_46, %get3A_47, %get3A_48] : memref<4x1x128xf32, #tpu.memory_space<vmem>>, vector<1x1x128xf32>
    %get3A_50 = vector.shape_cast %get3A_49 : vector<1x1x128xf32> to vector<1x128xf32>
    %add3A_51 = vector.broadcast %get3A_50 : vector<1x128xf32> to vector<2000x128xf32>
    %add3A_52 = arith.addf %dot_general3A_45, %add3A_51 : vector<2000x128xf32>
    %swap3A_53 = arith.constant 2 : index
    %swap3A_54 = arith.constant 0 : index
    %swap3A_55 = arith.constant 0 : index
    %swap3A_56 = vector.load %arg4[%swap3A_53, %swap3A_54, %swap3A_55] : memref<4x2000x128xf32, #tpu.memory_space<vmem>>, vector<1x2000x128xf32>
    %swap3A_57 = vector.shape_cast %swap3A_56 : vector<1x2000x128xf32> to vector<2000x128xf32>
    %swap3A_58 = vector.shape_cast %add3A_52 : vector<2000x128xf32> to vector<1x2000x128xf32>
    tpu.vector_store %arg4[%swap3A_53, %swap3A_54, %swap3A_55], %swap3A_58 {strides = array<i32>} : memref<4x2000x128xf32, #tpu.memory_space<vmem>>, vector<1x2000x128xf32>,
    %get3A_59 = arith.constant 3 : index
    %get3A_60 = arith.constant 0 : index
    %get3A_61 = arith.constant 0 : index
    %get3A_62 = vector.load %arg2[%get3A_59, %get3A_60, %get3A_61] : memref<4x128x128xf32, #tpu.memory_space<vmem>>, vector<1x128x128xf32>
    %get3A_63 = vector.shape_cast %get3A_62 : vector<1x128x128xf32> to vector<128x128xf32>
    %dot_general3A_64 = arith.constant dense<0.000000e+00> : vector<2000x128xf32>
    %dot_general3A_65 = tpu.matmul %get3A_1, %get3A_63, %dot_general3A_64 {dimension_numbers = #tpu.dot_dimension_numbers<[1], [0], [0], [1], [0, 0, 1, 1], [], []>, transpose_lhs_hint = false} : vector<2000x128xf32>, vector<128x128xf32>, vector<2000x128xf32> -> vector<2000x128xf32>
    %get3A_66 = arith.constant 3 : index
    %get3A_67 = arith.constant 0 : index
    %get3A_68 = arith.constant 0 : index
    %get3A_69 = vector.load %arg3[%get3A_66, %get3A_67, %get3A_68] : memref<4x1x128xf32, #tpu.memory_space<vmem>>, vector<1x1x128xf32>
    %get3A_70 = vector.shape_cast %get3A_69 : vector<1x1x128xf32> to vector<1x128xf32>
    %add3A_71 = vector.broadcast %get3A_70 : vector<1x128xf32> to vector<2000x128xf32>
    %add3A_72 = arith.addf %dot_general3A_65, %add3A_71 : vector<2000x128xf32>
    %swap3A_73 = arith.constant 3 : index
    %swap3A_74 = arith.constant 0 : index
    %swap3A_75 = arith.constant 0 : index
    %swap3A_76 = vector.load %arg4[%swap3A_73, %swap3A_74, %swap3A_75] : memref<4x2000x128xf32, #tpu.memory_space<vmem>>, vector<1x2000x128xf32>
    %swap3A_77 = vector.shape_cast %swap3A_76 : vector<1x2000x128xf32> to vector<2000x128xf32>
    %swap3A_78 = vector.shape_cast %add3A_72 : vector<2000x128xf32> to vector<1x2000x128xf32>
    tpu.vector_store %arg4[%swap3A_73, %swap3A_74, %swap3A_75], %swap3A_78 {strides = array<i32>} : memref<4x2000x128xf32, #tpu.memory_space<vmem>>, vector<1x2000x128xf32>,
    return
  }
  func.func @transform_0(%arg0: i32) -> (i32, i32) {
    %c0_i32 = arith.constant 0 : i32
    %c0_i32_0 = arith.constant 0 : i32
    return %arg0, %c0_i32 : i32, i32
  }
  func.func @transform_1(%arg0: i32) -> (i32, i32, i32) {
    %c0_i32 = arith.constant 0 : i32
    %c0_i32_0 = arith.constant 0 : i32
    %c0_i32_1 = arith.constant 0 : i32
    %c0_i32_2 = arith.constant 0 : i32
    return %c0_i32, %c0_i32_0, %c0_i32_1 : i32, i32, i32
  }
  func.func @transform_2(%arg0: i32) -> (i32, i32, i32) {
    %c0_i32 = arith.constant 0 : i32
    %c0_i32_0 = arith.constant 0 : i32
    %c0_i32_1 = arith.constant 0 : i32
    %c0_i32_2 = arith.constant 0 : i32
    return %c0_i32, %c0_i32_0, %c0_i32_1 : i32, i32, i32
  }
  func.func @transform_3(%arg0: i32) -> (i32, i32, i32) {
    %c0_i32 = arith.constant 0 : i32
    %c0_i32_0 = arith.constant 0 : i32
    %c0_i32_1 = arith.constant 0 : i32
    return %c0_i32, %arg0, %c0_i32_0 : i32, i32, i32
  }
}

module attributes {stable_mosaic.version = 14 : i64} {
  func.func @_gru_msg_body(%arg0: i32, %arg1: memref<2x2000x128xf32, #tpu.memory_space<vmem>>, %arg2: memref<2000x128xf32, #tpu.memory_space<vmem>>, %arg3: memref<128x384xf32, #tpu.memory_space<vmem>>, %arg4: memref<128x384xf32, #tpu.memory_space<vmem>>, %arg5: memref<1x384xf32, #tpu.memory_space<vmem>>, %arg6: memref<1x384xf32, #tpu.memory_space<vmem>>, %arg7: memref<4x128x128xf32, #tpu.memory_space<vmem>>, %arg8: memref<4x1x128xf32, #tpu.memory_space<vmem>>, %arg9: memref<2000x128xf32, #tpu.memory_space<vmem>>, %arg10: memref<4x2000x128xf32, #tpu.memory_space<vmem>>) attributes {dimension_semantics = [#tpu.dimension_semantics<arbitrary>], iteration_bounds = array<i64: 5>, scalar_prefetch = 0 : i64, scratch_operands = 0 : i64, tpu.core_type = #tpu.core_type<tc>, window_params = [{transform_indices = @transform_0, window_bounds = array<i64: 2, 2000, 128>}, {transform_indices = @transform_1, window_bounds = array<i64: 2000, 128>}, {pipeline_mode = #tpu.pipeline_mode<synchronous>, transform_indices = @transform_2, window_bounds = array<i64: 128, 384>}, {pipeline_mode = #tpu.pipeline_mode<synchronous>, transform_indices = @transform_3, window_bounds = array<i64: 128, 384>}, {pipeline_mode = #tpu.pipeline_mode<synchronous>, transform_indices = @transform_4, window_bounds = array<i64: 1, 384>}, {pipeline_mode = #tpu.pipeline_mode<synchronous>, transform_indices = @transform_5, window_bounds = array<i64: 1, 384>}, {pipeline_mode = #tpu.pipeline_mode<synchronous>, transform_indices = @transform_6, window_bounds = array<i64: 4, 128, 128>}, {pipeline_mode = #tpu.pipeline_mode<synchronous>, transform_indices = @transform_7, window_bounds = array<i64: 4, 1, 128>}, {transform_indices = @transform_8, window_bounds = array<i64: 2000, 128>}, {transform_indices = @transform_9, window_bounds = array<i64: 4, 2000, 128>}]} {
    %get3A = arith.constant 0 : index
    %get3A_0 = arith.constant 0 : index
    %get3A_1 = arith.constant 0 : index
    %get3A_2 = vector.load %arg1[%get3A, %get3A_0, %get3A_1] : memref<2x2000x128xf32, #tpu.memory_space<vmem>>, vector<1x2000x128xf32>
    %get3A_3 = vector.shape_cast %get3A_2 : vector<1x2000x128xf32> to vector<2000x128xf32>
    %get3A_4 = arith.constant 1 : index
    %get3A_5 = arith.constant 0 : index
    %get3A_6 = arith.constant 0 : index
    %get3A_7 = vector.load %arg1[%get3A_4, %get3A_5, %get3A_6] : memref<2x2000x128xf32, #tpu.memory_space<vmem>>, vector<1x2000x128xf32>
    %get3A_8 = vector.shape_cast %get3A_7 : vector<1x2000x128xf32> to vector<2000x128xf32>
    %add3A = arith.addf %get3A_3, %get3A_8 : vector<2000x128xf32>
    %get3A_9 = arith.constant 0 : index
    %get3A_10 = arith.constant 0 : index
    %get3A_11 = vector.load %arg2[%get3A_9, %get3A_10] : memref<2000x128xf32, #tpu.memory_space<vmem>>, vector<2000x128xf32>
    %get3A_12 = arith.constant 0 : index
    %get3A_13 = arith.constant 0 : index
    %get3A_14 = vector.load %arg3[%get3A_12, %get3A_13] : memref<128x384xf32, #tpu.memory_space<vmem>>, vector<128x384xf32>
    %dot_general3A = arith.constant dense<0.000000e+00> : vector<2000x384xf32>
    %dot_general3A_15 = tpu.matmul %add3A, %get3A_14, %dot_general3A {dimension_numbers = #tpu.dot_dimension_numbers<[1], [0], [0], [1], [0, 0, 1, 1], [], []>, transpose_lhs_hint = false} : vector<2000x128xf32>, vector<128x384xf32>, vector<2000x384xf32> -> vector<2000x384xf32>
    %get3A_16 = arith.constant 0 : index
    %get3A_17 = arith.constant 0 : index
    %get3A_18 = vector.load %arg5[%get3A_16, %get3A_17] : memref<1x384xf32, #tpu.memory_space<vmem>>, vector<1x384xf32>
    %get3A_19 = vector.shape_cast %get3A_18 : vector<1x384xf32> to vector<384xf32>
    %broadcast_in_dim3A = vector.shape_cast %get3A_19 : vector<384xf32> to vector<1x384xf32>
    %add3A_20 = vector.broadcast %broadcast_in_dim3A : vector<1x384xf32> to vector<2000x384xf32>
    %add3A_21 = arith.addf %dot_general3A_15, %add3A_20 : vector<2000x384xf32>
    %get3A_22 = arith.constant 0 : index
    %get3A_23 = arith.constant 0 : index
    %get3A_24 = vector.load %arg4[%get3A_22, %get3A_23] : memref<128x384xf32, #tpu.memory_space<vmem>>, vector<128x384xf32>
    %dot_general3A_25 = arith.constant dense<0.000000e+00> : vector<2000x384xf32>
    %dot_general3A_26 = tpu.matmul %get3A_11, %get3A_24, %dot_general3A_25 {dimension_numbers = #tpu.dot_dimension_numbers<[1], [0], [0], [1], [0, 0, 1, 1], [], []>, transpose_lhs_hint = false} : vector<2000x128xf32>, vector<128x384xf32>, vector<2000x384xf32> -> vector<2000x384xf32>
    %get3A_27 = arith.constant 0 : index
    %get3A_28 = arith.constant 0 : index
    %get3A_29 = vector.load %arg6[%get3A_27, %get3A_28] : memref<1x384xf32, #tpu.memory_space<vmem>>, vector<1x384xf32>
    %get3A_30 = vector.shape_cast %get3A_29 : vector<1x384xf32> to vector<384xf32>
    %broadcast_in_dim3A_31 = vector.shape_cast %get3A_30 : vector<384xf32> to vector<1x384xf32>
    %add3A_32 = vector.broadcast %broadcast_in_dim3A_31 : vector<1x384xf32> to vector<2000x384xf32>
    %add3A_33 = arith.addf %dot_general3A_26, %add3A_32 : vector<2000x384xf32>
    %slice3A = vector.extract_strided_slice %add3A_21 {offsets = [0, 0], sizes = [2000, 128], strides = [1, 1]} : vector<2000x384xf32> to vector<2000x128xf32>
    %slice3A_34 = vector.extract_strided_slice %add3A_33 {offsets = [0, 0], sizes = [2000, 128], strides = [1, 1]} : vector<2000x384xf32> to vector<2000x128xf32>
    %add3A_35 = arith.addf %slice3A, %slice3A_34 : vector<2000x128xf32>
    %logistic3A = arith.negf %add3A_35 : vector<2000x128xf32>
    %logistic3A_36 = math.exp %logistic3A : vector<2000x128xf32>
    %logistic3A_37 = arith.constant 1.000000e+00 : f32
    %logistic3A_38 = vector.broadcast %logistic3A_37 : f32 to vector<2000x128xf32>
    %logistic3A_39 = arith.addf %logistic3A_38, %logistic3A_36 : vector<2000x128xf32>
    %logistic3A_40 = arith.divf %logistic3A_38, %logistic3A_39 : vector<2000x128xf32>
    %slice3A_41 = vector.extract_strided_slice %add3A_21 {offsets = [0, 128], sizes = [2000, 128], strides = [1, 1]} : vector<2000x384xf32> to vector<2000x128xf32>
    %slice3A_42 = vector.extract_strided_slice %add3A_33 {offsets = [0, 128], sizes = [2000, 128], strides = [1, 1]} : vector<2000x384xf32> to vector<2000x128xf32>
    %add3A_43 = arith.addf %slice3A_41, %slice3A_42 : vector<2000x128xf32>
    %logistic3A_44 = arith.negf %add3A_43 : vector<2000x128xf32>
    %logistic3A_45 = math.exp %logistic3A_44 : vector<2000x128xf32>
    %logistic3A_46 = arith.constant 1.000000e+00 : f32
    %logistic3A_47 = vector.broadcast %logistic3A_46 : f32 to vector<2000x128xf32>
    %logistic3A_48 = arith.addf %logistic3A_47, %logistic3A_45 : vector<2000x128xf32>
    %logistic3A_49 = arith.divf %logistic3A_47, %logistic3A_48 : vector<2000x128xf32>
    %slice3A_50 = vector.extract_strided_slice %add3A_21 {offsets = [0, 256], sizes = [2000, 128], strides = [1, 1]} : vector<2000x384xf32> to vector<2000x128xf32>
    %slice3A_51 = vector.extract_strided_slice %add3A_33 {offsets = [0, 256], sizes = [2000, 128], strides = [1, 1]} : vector<2000x384xf32> to vector<2000x128xf32>
    %mul3A = arith.mulf %logistic3A_40, %slice3A_51 : vector<2000x128xf32>
    %add3A_52 = arith.addf %slice3A_50, %mul3A : vector<2000x128xf32>
    %tanh3A = math.tanh %add3A_52 : vector<2000x128xf32>
    %sub3A = arith.constant 1.000000e+00 : f32
    %sub3A_53 = vector.broadcast %sub3A : f32 to vector<2000x128xf32>
    %sub3A_54 = arith.subf %sub3A_53, %logistic3A_49 : vector<2000x128xf32>
    %mul3A_55 = arith.mulf %sub3A_54, %tanh3A : vector<2000x128xf32>
    %mul3A_56 = arith.mulf %logistic3A_49, %get3A_11 : vector<2000x128xf32>
    %add3A_57 = arith.addf %mul3A_55, %mul3A_56 : vector<2000x128xf32>
    %swap3A = arith.constant 0 : index
    %swap3A_58 = arith.constant 0 : index
    %swap3A_59 = vector.load %arg9[%swap3A, %swap3A_58] : memref<2000x128xf32, #tpu.memory_space<vmem>>, vector<2000x128xf32>
    tpu.vector_store %arg9[%swap3A, %swap3A_58], %add3A_57 {strides = array<i32>} : memref<2000x128xf32, #tpu.memory_space<vmem>>, vector<2000x128xf32>,
    %get3A_60 = arith.constant 0 : index
    %get3A_61 = arith.constant 0 : index
    %get3A_62 = arith.constant 0 : index
    %get3A_63 = vector.load %arg7[%get3A_60, %get3A_61, %get3A_62] : memref<4x128x128xf32, #tpu.memory_space<vmem>>, vector<1x128x128xf32>
    %get3A_64 = vector.shape_cast %get3A_63 : vector<1x128x128xf32> to vector<128x128xf32>
    %dot_general3A_65 = arith.constant dense<0.000000e+00> : vector<2000x128xf32>
    %dot_general3A_66 = tpu.matmul %add3A_57, %get3A_64, %dot_general3A_65 {dimension_numbers = #tpu.dot_dimension_numbers<[1], [0], [0], [1], [0, 0, 1, 1], [], []>, transpose_lhs_hint = false} : vector<2000x128xf32>, vector<128x128xf32>, vector<2000x128xf32> -> vector<2000x128xf32>
    %get3A_67 = arith.constant 0 : index
    %get3A_68 = arith.constant 0 : index
    %get3A_69 = arith.constant 0 : index
    %get3A_70 = vector.load %arg8[%get3A_67, %get3A_68, %get3A_69] : memref<4x1x128xf32, #tpu.memory_space<vmem>>, vector<1x1x128xf32>
    %get3A_71 = vector.shape_cast %get3A_70 : vector<1x1x128xf32> to vector<1x128xf32>
    %add3A_72 = vector.broadcast %get3A_71 : vector<1x128xf32> to vector<2000x128xf32>
    %add3A_73 = arith.addf %dot_general3A_66, %add3A_72 : vector<2000x128xf32>
    %swap3A_74 = arith.constant 0 : index
    %swap3A_75 = arith.constant 0 : index
    %swap3A_76 = arith.constant 0 : index
    %swap3A_77 = vector.load %arg10[%swap3A_74, %swap3A_75, %swap3A_76] : memref<4x2000x128xf32, #tpu.memory_space<vmem>>, vector<1x2000x128xf32>
    %swap3A_78 = vector.shape_cast %swap3A_77 : vector<1x2000x128xf32> to vector<2000x128xf32>
    %swap3A_79 = vector.shape_cast %add3A_73 : vector<2000x128xf32> to vector<1x2000x128xf32>
    tpu.vector_store %arg10[%swap3A_74, %swap3A_75, %swap3A_76], %swap3A_79 {strides = array<i32>} : memref<4x2000x128xf32, #tpu.memory_space<vmem>>, vector<1x2000x128xf32>,
    %get3A_80 = arith.constant 1 : index
    %get3A_81 = arith.constant 0 : index
    %get3A_82 = arith.constant 0 : index
    %get3A_83 = vector.load %arg7[%get3A_80, %get3A_81, %get3A_82] : memref<4x128x128xf32, #tpu.memory_space<vmem>>, vector<1x128x128xf32>
    %get3A_84 = vector.shape_cast %get3A_83 : vector<1x128x128xf32> to vector<128x128xf32>
    %dot_general3A_85 = arith.constant dense<0.000000e+00> : vector<2000x128xf32>
    %dot_general3A_86 = tpu.matmul %add3A_57, %get3A_84, %dot_general3A_85 {dimension_numbers = #tpu.dot_dimension_numbers<[1], [0], [0], [1], [0, 0, 1, 1], [], []>, transpose_lhs_hint = false} : vector<2000x128xf32>, vector<128x128xf32>, vector<2000x128xf32> -> vector<2000x128xf32>
    %get3A_87 = arith.constant 1 : index
    %get3A_88 = arith.constant 0 : index
    %get3A_89 = arith.constant 0 : index
    %get3A_90 = vector.load %arg8[%get3A_87, %get3A_88, %get3A_89] : memref<4x1x128xf32, #tpu.memory_space<vmem>>, vector<1x1x128xf32>
    %get3A_91 = vector.shape_cast %get3A_90 : vector<1x1x128xf32> to vector<1x128xf32>
    %add3A_92 = vector.broadcast %get3A_91 : vector<1x128xf32> to vector<2000x128xf32>
    %add3A_93 = arith.addf %dot_general3A_86, %add3A_92 : vector<2000x128xf32>
    %swap3A_94 = arith.constant 1 : index
    %swap3A_95 = arith.constant 0 : index
    %swap3A_96 = arith.constant 0 : index
    %swap3A_97 = vector.load %arg10[%swap3A_94, %swap3A_95, %swap3A_96] : memref<4x2000x128xf32, #tpu.memory_space<vmem>>, vector<1x2000x128xf32>
    %swap3A_98 = vector.shape_cast %swap3A_97 : vector<1x2000x128xf32> to vector<2000x128xf32>
    %swap3A_99 = vector.shape_cast %add3A_93 : vector<2000x128xf32> to vector<1x2000x128xf32>
    tpu.vector_store %arg10[%swap3A_94, %swap3A_95, %swap3A_96], %swap3A_99 {strides = array<i32>} : memref<4x2000x128xf32, #tpu.memory_space<vmem>>, vector<1x2000x128xf32>,
    %get3A_100 = arith.constant 2 : index
    %get3A_101 = arith.constant 0 : index
    %get3A_102 = arith.constant 0 : index
    %get3A_103 = vector.load %arg7[%get3A_100, %get3A_101, %get3A_102] : memref<4x128x128xf32, #tpu.memory_space<vmem>>, vector<1x128x128xf32>
    %get3A_104 = vector.shape_cast %get3A_103 : vector<1x128x128xf32> to vector<128x128xf32>
    %dot_general3A_105 = arith.constant dense<0.000000e+00> : vector<2000x128xf32>
    %dot_general3A_106 = tpu.matmul %add3A_57, %get3A_104, %dot_general3A_105 {dimension_numbers = #tpu.dot_dimension_numbers<[1], [0], [0], [1], [0, 0, 1, 1], [], []>, transpose_lhs_hint = false} : vector<2000x128xf32>, vector<128x128xf32>, vector<2000x128xf32> -> vector<2000x128xf32>
    %get3A_107 = arith.constant 2 : index
    %get3A_108 = arith.constant 0 : index
    %get3A_109 = arith.constant 0 : index
    %get3A_110 = vector.load %arg8[%get3A_107, %get3A_108, %get3A_109] : memref<4x1x128xf32, #tpu.memory_space<vmem>>, vector<1x1x128xf32>
    %get3A_111 = vector.shape_cast %get3A_110 : vector<1x1x128xf32> to vector<1x128xf32>
    %add3A_112 = vector.broadcast %get3A_111 : vector<1x128xf32> to vector<2000x128xf32>
    %add3A_113 = arith.addf %dot_general3A_106, %add3A_112 : vector<2000x128xf32>
    %swap3A_114 = arith.constant 2 : index
    %swap3A_115 = arith.constant 0 : index
    %swap3A_116 = arith.constant 0 : index
    %swap3A_117 = vector.load %arg10[%swap3A_114, %swap3A_115, %swap3A_116] : memref<4x2000x128xf32, #tpu.memory_space<vmem>>, vector<1x2000x128xf32>
    %swap3A_118 = vector.shape_cast %swap3A_117 : vector<1x2000x128xf32> to vector<2000x128xf32>
    %swap3A_119 = vector.shape_cast %add3A_113 : vector<2000x128xf32> to vector<1x2000x128xf32>
    tpu.vector_store %arg10[%swap3A_114, %swap3A_115, %swap3A_116], %swap3A_119 {strides = array<i32>} : memref<4x2000x128xf32, #tpu.memory_space<vmem>>, vector<1x2000x128xf32>,
    %get3A_120 = arith.constant 3 : index
    %get3A_121 = arith.constant 0 : index
    %get3A_122 = arith.constant 0 : index
    %get3A_123 = vector.load %arg7[%get3A_120, %get3A_121, %get3A_122] : memref<4x128x128xf32, #tpu.memory_space<vmem>>, vector<1x128x128xf32>
    %get3A_124 = vector.shape_cast %get3A_123 : vector<1x128x128xf32> to vector<128x128xf32>
    %dot_general3A_125 = arith.constant dense<0.000000e+00> : vector<2000x128xf32>
    %dot_general3A_126 = tpu.matmul %add3A_57, %get3A_124, %dot_general3A_125 {dimension_numbers = #tpu.dot_dimension_numbers<[1], [0], [0], [1], [0, 0, 1, 1], [], []>, transpose_lhs_hint = false} : vector<2000x128xf32>, vector<128x128xf32>, vector<2000x128xf32> -> vector<2000x128xf32>
    %get3A_127 = arith.constant 3 : index
    %get3A_128 = arith.constant 0 : index
    %get3A_129 = arith.constant 0 : index
    %get3A_130 = vector.load %arg8[%get3A_127, %get3A_128, %get3A_129] : memref<4x1x128xf32, #tpu.memory_space<vmem>>, vector<1x1x128xf32>
    %get3A_131 = vector.shape_cast %get3A_130 : vector<1x1x128xf32> to vector<1x128xf32>
    %add3A_132 = vector.broadcast %get3A_131 : vector<1x128xf32> to vector<2000x128xf32>
    %add3A_133 = arith.addf %dot_general3A_126, %add3A_132 : vector<2000x128xf32>
    %swap3A_134 = arith.constant 3 : index
    %swap3A_135 = arith.constant 0 : index
    %swap3A_136 = arith.constant 0 : index
    %swap3A_137 = vector.load %arg10[%swap3A_134, %swap3A_135, %swap3A_136] : memref<4x2000x128xf32, #tpu.memory_space<vmem>>, vector<1x2000x128xf32>
    %swap3A_138 = vector.shape_cast %swap3A_137 : vector<1x2000x128xf32> to vector<2000x128xf32>
    %swap3A_139 = vector.shape_cast %add3A_133 : vector<2000x128xf32> to vector<1x2000x128xf32>
    tpu.vector_store %arg10[%swap3A_134, %swap3A_135, %swap3A_136], %swap3A_139 {strides = array<i32>} : memref<4x2000x128xf32, #tpu.memory_space<vmem>>, vector<1x2000x128xf32>,
    return
  }
  func.func @transform_0(%arg0: i32) -> (i32, i32, i32) {
    %c0_i32 = arith.constant 0 : i32
    %c0_i32_0 = arith.constant 0 : i32
    %c0_i32_1 = arith.constant 0 : i32
    return %c0_i32, %arg0, %c0_i32_0 : i32, i32, i32
  }
  func.func @transform_1(%arg0: i32) -> (i32, i32) {
    %c0_i32 = arith.constant 0 : i32
    %c0_i32_0 = arith.constant 0 : i32
    return %arg0, %c0_i32 : i32, i32
  }
  func.func @transform_2(%arg0: i32) -> (i32, i32) {
    %c0_i32 = arith.constant 0 : i32
    %c0_i32_0 = arith.constant 0 : i32
    %c0_i32_1 = arith.constant 0 : i32
    return %c0_i32, %c0_i32_0 : i32, i32
  }
  func.func @transform_3(%arg0: i32) -> (i32, i32) {
    %c0_i32 = arith.constant 0 : i32
    %c0_i32_0 = arith.constant 0 : i32
    %c0_i32_1 = arith.constant 0 : i32
    return %c0_i32, %c0_i32_0 : i32, i32
  }
  func.func @transform_4(%arg0: i32) -> (i32, i32) {
    %c0_i32 = arith.constant 0 : i32
    %c0_i32_0 = arith.constant 0 : i32
    %c0_i32_1 = arith.constant 0 : i32
    return %c0_i32, %c0_i32_0 : i32, i32
  }
  func.func @transform_5(%arg0: i32) -> (i32, i32) {
    %c0_i32 = arith.constant 0 : i32
    %c0_i32_0 = arith.constant 0 : i32
    %c0_i32_1 = arith.constant 0 : i32
    return %c0_i32, %c0_i32_0 : i32, i32
  }
  func.func @transform_6(%arg0: i32) -> (i32, i32, i32) {
    %c0_i32 = arith.constant 0 : i32
    %c0_i32_0 = arith.constant 0 : i32
    %c0_i32_1 = arith.constant 0 : i32
    %c0_i32_2 = arith.constant 0 : i32
    return %c0_i32, %c0_i32_0, %c0_i32_1 : i32, i32, i32
  }
  func.func @transform_7(%arg0: i32) -> (i32, i32, i32) {
    %c0_i32 = arith.constant 0 : i32
    %c0_i32_0 = arith.constant 0 : i32
    %c0_i32_1 = arith.constant 0 : i32
    %c0_i32_2 = arith.constant 0 : i32
    return %c0_i32, %c0_i32_0, %c0_i32_1 : i32, i32, i32
  }
  func.func @transform_8(%arg0: i32) -> (i32, i32) {
    %c0_i32 = arith.constant 0 : i32
    %c0_i32_0 = arith.constant 0 : i32
    return %arg0, %c0_i32 : i32, i32
  }
  func.func @transform_9(%arg0: i32) -> (i32, i32, i32) {
    %c0_i32 = arith.constant 0 : i32
    %c0_i32_0 = arith.constant 0 : i32
    %c0_i32_1 = arith.constant 0 : i32
    return %c0_i32, %arg0, %c0_i32_0 : i32, i32, i32
  }
}

module attributes {stable_mosaic.version = 14 : i64} {
  func.func @_gru_body(%arg0: i32, %arg1: memref<2x2000x128xf32, #tpu.memory_space<vmem>>, %arg2: memref<2000x128xf32, #tpu.memory_space<vmem>>, %arg3: memref<128x384xf32, #tpu.memory_space<vmem>>, %arg4: memref<128x384xf32, #tpu.memory_space<vmem>>, %arg5: memref<1x384xf32, #tpu.memory_space<vmem>>, %arg6: memref<1x384xf32, #tpu.memory_space<vmem>>, %arg7: memref<2000x128xf32, #tpu.memory_space<vmem>>) attributes {dimension_semantics = [#tpu.dimension_semantics<arbitrary>], iteration_bounds = array<i64: 5>, scalar_prefetch = 0 : i64, scratch_operands = 0 : i64, tpu.core_type = #tpu.core_type<tc>, window_params = [{transform_indices = @transform_0, window_bounds = array<i64: 2, 2000, 128>}, {transform_indices = @transform_1, window_bounds = array<i64: 2000, 128>}, {pipeline_mode = #tpu.pipeline_mode<synchronous>, transform_indices = @transform_2, window_bounds = array<i64: 128, 384>}, {pipeline_mode = #tpu.pipeline_mode<synchronous>, transform_indices = @transform_3, window_bounds = array<i64: 128, 384>}, {pipeline_mode = #tpu.pipeline_mode<synchronous>, transform_indices = @transform_4, window_bounds = array<i64: 1, 384>}, {pipeline_mode = #tpu.pipeline_mode<synchronous>, transform_indices = @transform_5, window_bounds = array<i64: 1, 384>}, {transform_indices = @transform_6, window_bounds = array<i64: 2000, 128>}]} {
    %get3A = arith.constant 0 : index
    %get3A_0 = arith.constant 0 : index
    %get3A_1 = arith.constant 0 : index
    %get3A_2 = vector.load %arg1[%get3A, %get3A_0, %get3A_1] : memref<2x2000x128xf32, #tpu.memory_space<vmem>>, vector<1x2000x128xf32>
    %get3A_3 = vector.shape_cast %get3A_2 : vector<1x2000x128xf32> to vector<2000x128xf32>
    %get3A_4 = arith.constant 1 : index
    %get3A_5 = arith.constant 0 : index
    %get3A_6 = arith.constant 0 : index
    %get3A_7 = vector.load %arg1[%get3A_4, %get3A_5, %get3A_6] : memref<2x2000x128xf32, #tpu.memory_space<vmem>>, vector<1x2000x128xf32>
    %get3A_8 = vector.shape_cast %get3A_7 : vector<1x2000x128xf32> to vector<2000x128xf32>
    %add3A = arith.addf %get3A_3, %get3A_8 : vector<2000x128xf32>
    %get3A_9 = arith.constant 0 : index
    %get3A_10 = arith.constant 0 : index
    %get3A_11 = vector.load %arg2[%get3A_9, %get3A_10] : memref<2000x128xf32, #tpu.memory_space<vmem>>, vector<2000x128xf32>
    %get3A_12 = arith.constant 0 : index
    %get3A_13 = arith.constant 0 : index
    %get3A_14 = vector.load %arg3[%get3A_12, %get3A_13] : memref<128x384xf32, #tpu.memory_space<vmem>>, vector<128x384xf32>
    %dot_general3A = arith.constant dense<0.000000e+00> : vector<2000x384xf32>
    %dot_general3A_15 = tpu.matmul %add3A, %get3A_14, %dot_general3A {dimension_numbers = #tpu.dot_dimension_numbers<[1], [0], [0], [1], [0, 0, 1, 1], [], []>, transpose_lhs_hint = false} : vector<2000x128xf32>, vector<128x384xf32>, vector<2000x384xf32> -> vector<2000x384xf32>
    %get3A_16 = arith.constant 0 : index
    %get3A_17 = arith.constant 0 : index
    %get3A_18 = vector.load %arg5[%get3A_16, %get3A_17] : memref<1x384xf32, #tpu.memory_space<vmem>>, vector<1x384xf32>
    %get3A_19 = vector.shape_cast %get3A_18 : vector<1x384xf32> to vector<384xf32>
    %broadcast_in_dim3A = vector.shape_cast %get3A_19 : vector<384xf32> to vector<1x384xf32>
    %add3A_20 = vector.broadcast %broadcast_in_dim3A : vector<1x384xf32> to vector<2000x384xf32>
    %add3A_21 = arith.addf %dot_general3A_15, %add3A_20 : vector<2000x384xf32>
    %get3A_22 = arith.constant 0 : index
    %get3A_23 = arith.constant 0 : index
    %get3A_24 = vector.load %arg4[%get3A_22, %get3A_23] : memref<128x384xf32, #tpu.memory_space<vmem>>, vector<128x384xf32>
    %dot_general3A_25 = arith.constant dense<0.000000e+00> : vector<2000x384xf32>
    %dot_general3A_26 = tpu.matmul %get3A_11, %get3A_24, %dot_general3A_25 {dimension_numbers = #tpu.dot_dimension_numbers<[1], [0], [0], [1], [0, 0, 1, 1], [], []>, transpose_lhs_hint = false} : vector<2000x128xf32>, vector<128x384xf32>, vector<2000x384xf32> -> vector<2000x384xf32>
    %get3A_27 = arith.constant 0 : index
    %get3A_28 = arith.constant 0 : index
    %get3A_29 = vector.load %arg6[%get3A_27, %get3A_28] : memref<1x384xf32, #tpu.memory_space<vmem>>, vector<1x384xf32>
    %get3A_30 = vector.shape_cast %get3A_29 : vector<1x384xf32> to vector<384xf32>
    %broadcast_in_dim3A_31 = vector.shape_cast %get3A_30 : vector<384xf32> to vector<1x384xf32>
    %add3A_32 = vector.broadcast %broadcast_in_dim3A_31 : vector<1x384xf32> to vector<2000x384xf32>
    %add3A_33 = arith.addf %dot_general3A_26, %add3A_32 : vector<2000x384xf32>
    %slice3A = vector.extract_strided_slice %add3A_21 {offsets = [0, 0], sizes = [2000, 128], strides = [1, 1]} : vector<2000x384xf32> to vector<2000x128xf32>
    %slice3A_34 = vector.extract_strided_slice %add3A_33 {offsets = [0, 0], sizes = [2000, 128], strides = [1, 1]} : vector<2000x384xf32> to vector<2000x128xf32>
    %add3A_35 = arith.addf %slice3A, %slice3A_34 : vector<2000x128xf32>
    %logistic3A = arith.negf %add3A_35 : vector<2000x128xf32>
    %logistic3A_36 = math.exp %logistic3A : vector<2000x128xf32>
    %logistic3A_37 = arith.constant 1.000000e+00 : f32
    %logistic3A_38 = vector.broadcast %logistic3A_37 : f32 to vector<2000x128xf32>
    %logistic3A_39 = arith.addf %logistic3A_38, %logistic3A_36 : vector<2000x128xf32>
    %logistic3A_40 = arith.divf %logistic3A_38, %logistic3A_39 : vector<2000x128xf32>
    %slice3A_41 = vector.extract_strided_slice %add3A_21 {offsets = [0, 128], sizes = [2000, 128], strides = [1, 1]} : vector<2000x384xf32> to vector<2000x128xf32>
    %slice3A_42 = vector.extract_strided_slice %add3A_33 {offsets = [0, 128], sizes = [2000, 128], strides = [1, 1]} : vector<2000x384xf32> to vector<2000x128xf32>
    %add3A_43 = arith.addf %slice3A_41, %slice3A_42 : vector<2000x128xf32>
    %logistic3A_44 = arith.negf %add3A_43 : vector<2000x128xf32>
    %logistic3A_45 = math.exp %logistic3A_44 : vector<2000x128xf32>
    %logistic3A_46 = arith.constant 1.000000e+00 : f32
    %logistic3A_47 = vector.broadcast %logistic3A_46 : f32 to vector<2000x128xf32>
    %logistic3A_48 = arith.addf %logistic3A_47, %logistic3A_45 : vector<2000x128xf32>
    %logistic3A_49 = arith.divf %logistic3A_47, %logistic3A_48 : vector<2000x128xf32>
    %slice3A_50 = vector.extract_strided_slice %add3A_21 {offsets = [0, 256], sizes = [2000, 128], strides = [1, 1]} : vector<2000x384xf32> to vector<2000x128xf32>
    %slice3A_51 = vector.extract_strided_slice %add3A_33 {offsets = [0, 256], sizes = [2000, 128], strides = [1, 1]} : vector<2000x384xf32> to vector<2000x128xf32>
    %mul3A = arith.mulf %logistic3A_40, %slice3A_51 : vector<2000x128xf32>
    %add3A_52 = arith.addf %slice3A_50, %mul3A : vector<2000x128xf32>
    %tanh3A = math.tanh %add3A_52 : vector<2000x128xf32>
    %sub3A = arith.constant 1.000000e+00 : f32
    %sub3A_53 = vector.broadcast %sub3A : f32 to vector<2000x128xf32>
    %sub3A_54 = arith.subf %sub3A_53, %logistic3A_49 : vector<2000x128xf32>
    %mul3A_55 = arith.mulf %sub3A_54, %tanh3A : vector<2000x128xf32>
    %mul3A_56 = arith.mulf %logistic3A_49, %get3A_11 : vector<2000x128xf32>
    %add3A_57 = arith.addf %mul3A_55, %mul3A_56 : vector<2000x128xf32>
    %swap3A = arith.constant 0 : index
    %swap3A_58 = arith.constant 0 : index
    %swap3A_59 = vector.load %arg7[%swap3A, %swap3A_58] : memref<2000x128xf32, #tpu.memory_space<vmem>>, vector<2000x128xf32>
    tpu.vector_store %arg7[%swap3A, %swap3A_58], %add3A_57 {strides = array<i32>} : memref<2000x128xf32, #tpu.memory_space<vmem>>, vector<2000x128xf32>,
    return
  }
  func.func @transform_0(%arg0: i32) -> (i32, i32, i32) {
    %c0_i32 = arith.constant 0 : i32
    %c0_i32_0 = arith.constant 0 : i32
    %c0_i32_1 = arith.constant 0 : i32
    return %c0_i32, %arg0, %c0_i32_0 : i32, i32, i32
  }
  func.func @transform_1(%arg0: i32) -> (i32, i32) {
    %c0_i32 = arith.constant 0 : i32
    %c0_i32_0 = arith.constant 0 : i32
    return %arg0, %c0_i32 : i32, i32
  }
  func.func @transform_2(%arg0: i32) -> (i32, i32) {
    %c0_i32 = arith.constant 0 : i32
    %c0_i32_0 = arith.constant 0 : i32
    %c0_i32_1 = arith.constant 0 : i32
    return %c0_i32, %c0_i32_0 : i32, i32
  }
  func.func @transform_3(%arg0: i32) -> (i32, i32) {
    %c0_i32 = arith.constant 0 : i32
    %c0_i32_0 = arith.constant 0 : i32
    %c0_i32_1 = arith.constant 0 : i32
    return %c0_i32, %c0_i32_0 : i32, i32
  }
  func.func @transform_4(%arg0: i32) -> (i32, i32) {
    %c0_i32 = arith.constant 0 : i32
    %c0_i32_0 = arith.constant 0 : i32
    %c0_i32_1 = arith.constant 0 : i32
    return %c0_i32, %c0_i32_0 : i32, i32
  }
  func.func @transform_5(%arg0: i32) -> (i32, i32) {
    %c0_i32 = arith.constant 0 : i32
    %c0_i32_0 = arith.constant 0 : i32
    %c0_i32_1 = arith.constant 0 : i32
    return %c0_i32, %c0_i32_0 : i32, i32
  }
  func.func @transform_6(%arg0: i32) -> (i32, i32) {
    %c0_i32 = arith.constant 0 : i32
    %c0_i32_0 = arith.constant 0 : i32
    return %arg0, %c0_i32 : i32, i32
  }
}

</mosaic_0001>

<sc_bundles>
// kernel: kernel.10.cloned.1.call-start
scs
__scs_entry_jumppad:
0x0: {  	(pc) =	sbr.rel $0x88, $3  }
0x1: {  	(tag) =	ssettag $0x0;
	lr =	simm.s32 $0x1  }
0x2: {  	[smem:$0x3F98] =	sst lr;
	_ =	strace $0xD0000000  }
0x3: {  	_ = 	snop  }
0x4: {  	_ = 	snop  }
0x5: {  	_ = 	snop  }
0x6: {  	_ = 	snop  }
0x7: {  	_ = 	snop  }
__scs_overlays_trampoline_lowered:
0x8: {  	[smem:$0x3FA7] =	sst s0  }
0x9: {  	[smem:$0x3FA8] =	sst s1  }
0xa: {  	[smem:$0x3FA9] =	sst s2  }
0xb: {  	[smem:$0x3FAA] =	sst s3  }
0xc: {  	[smem:$0x3FAB] =	sst s4  }
0xd: {  	[smem:$0x3FAC] =	sst s5  }
0xe: {  	[smem:$0x3FAD] =	sst s6  }
0xf: {  	[smem:$0x3FAE] =	sst s7  }
0x10: {  	[smem:$0x3FAF] =	sst s8  }
0x11: {  	[smem:$0x3FB0] =	sst s9;
	s0 =	simm.s32 @!p0 $0x0  }
0x12: {  	s1 =	sld [smem:$0x3F96];
	s0 =	simm.s32 @p0 $0x1  }
0x13: {  	[smem:$0x3FB1] =	sst s0;
	s0 =	simm.s32 @!p1 $0x0  }
0x14: {  	s2 =	sld [smem:$0x3F95];
	s0 =	simm.s32 @p1 $0x1  }
0x15: {  	[smem:$0x3FB2] =	sst s0;
	s0 =	simm.s32 @!p2 $0x0  }
0x16: {  	s3 =	sld [smem:$0x3FDB];
	s0 =	simm.s32 @p2 $0x1  }
0x17: {  	s4 =	simm.s32 $0x1BF5;
	[smem:$0x3FB4] =	sst s0  }
0x18: {  	s0 =	sld [smem:$0x3F97];
	_ =	swait.ge [sflag:s4], $0x0  }
0x19: {  	s7 =	sld [smem:$0x3F98]  }
0x1a: {  	s8 =	sadd.s32 $0xFFFFE003, lr  }
0x1b: {  	s9 =	sadd.s32 $0xFFFFFEF7, lr;
	s5 =	simm.s32 $0xFFFFFFFF;
	p2 =	slt.u32 s8, $0xFFFFF086  }
0x1c: {  	p1 =	slt.u32 s9, $0xF7A;
	s5 =	simm.s32 @!p2 $0x0  }
0x1d: {  	s5 =	simm.s32 @p1 $0x1;
	p0 =	seq.s32 s7, s2  }
0x1e: {  	s7 =	smul.u32 @!p0 $0xF7A, s2;
	p2 =	seq.s32 @!p0 s5, $0x0  }
0x1f: {  	s9 =	smul.u32 $0xF7A, s1;
	s8 =	simm.s32 @!p0 $0x1BF5;
	p2 =	por !p2, p0  }
0x20: {  	[sflag:s8] =	ssyncset.s32 @!p0 $0xFFFFF086;
	s6 =	sadd.s32 @!p0 s3, s7;
	s7 =	simm.s32 @!p0 $0x108  }
0x21: {  	s3 =	sadd.s32 s3, s9;
	s6 =	sadd.s32 @!p0 $0x88, s6;
	s7 =	simm.s32 @p2 $0x1082  }
0x22: {  	[simem:s7], [sflag:s8] =	dma.local @!p0 [hbm:s6], $0xF7A  }
0x23: {  	s9 =	sor.u32 $0xD0000000, s2;
	s6 =	simm.s32 $0x108;
	_ =	swait.ge @!p0 [sflag:s8], $0x0  }
0x24: {  	s3 =	sadd.s32 $0x88, s3;
	s6 =	simm.s32 @!p1 $0x1082;
	[sflag:s4] =	ssyncset.s32 $0xFFFFF086  }
0x25: {  	[simem:s6], [sflag:s4] =	dma.local [hbm:s3], $0xF7A  }
0x26: {  	[smem:$0x3F98] =	sst s1;
	(tag) =	ssettag s2;
	_ =	strace s9  }
0x27: {  	s1 =	sld [smem:$0x3FA8]  }
0x28: {  	s2 =	sld [smem:$0x3FA9]  }
0x29: {  	s4 =	sld [smem:$0x3FAB]  }
0x2a: {  	p0 =	seq.s32 s5, $0x0;
	s5 =	sld [smem:$0x3FAC]  }
0x2b: {  	s6 =	sld [smem:$0x3FAD]  }
0x2c: {  	s7 =	sld [smem:$0x3FAE]  }
0x2d: {  	s3 =	simm.s32 $0x108;
	s8 =	sld [smem:$0x3FAF]  }
0x2e: {  	s3 =	simm.s32 @!p0 $0x1082;
	s9 =	sld [smem:$0x3FB0]  }
0x2f: {  	lr =	sadd.s32 s0, s3;
	s0 =	sld [smem:$0x3FA7]  }
0x30: {  	s3 =	sld [smem:$0x3FAA]  }
0x31: {  	[smem:$0x3FB3] =	sst s10  }
0x32: {  	s10 =	sld [smem:$0x3FB1];
	_ =	sdelay $0x3  }
0x33: {  	p0 =	seq.s32 s10, $0x1;
	s10 =	sld [smem:$0x3FB3];
	_ =	sdelay $0x3  }
0x34: {  	[smem:$0x3FB3] =	sst s10  }
0x35: {  	s10 =	sld [smem:$0x3FB2];
	_ =	sdelay $0x3  }
0x36: {  	p1 =	seq.s32 s10, $0x1;
	s10 =	sld [smem:$0x3FB3];
	_ =	sdelay $0x3  }
0x37: {  	[smem:$0x3FB3] =	sst s10  }
0x38: {  	s10 =	sld [smem:$0x3FB4]  }
0x39: {  	_ = 	snop;
	(pc) =	sbr.ind lr, $3  }
0x3a: {  	_ = 	snop  }
0x3b: {  	_ = 	snop  }
0x3c: {  	p2 =	seq.s32 s10, $0x1;
	s10 =	sld [smem:$0x3FB3]  }
0x3d: {  	_ =	shalt  }
0x3e: {  	_ =	shalt  }
0x3f: {  	_ =	shalt  }
0x40: {  	_ =	shalt  }
0x41: {  	_ =	shalt  }
0x42: {  	_ =	shalt  }
0x43: {  	_ =	shalt  }
0x44: {  	_ =	shalt  }
0x45: {  	_ =	shalt  }
0x46: {  	_ =	shalt  }
0x47: {  	_ =	shalt  }
0x48: {  	_ =	shalt  }
0x49: {  	_ =	shalt  }
0x4a: {  	_ =	shalt  }
0x4b: {  	_ =	shalt  }
0x4c: {  	_ =	shalt  }
0x4d: {  	_ =	shalt  }
0x4e: {  	_ =	shalt  }
0x4f: {  	_ =	shalt  }
0x50: {  	_ =	shalt  }
0x51: {  	_ =	shalt  }
0x52: {  	_ =	shalt  }
0x53: {  	_ =	shalt  }
0x54: {  	_ =	shalt  }
0x55: {  	_ =	shalt  }
0x56: {  	_ =	shalt  }
0x57: {  	_ =	shalt  }
0x58: {  	_ =	shalt  }
0x59: {  	_ =	shalt  }
0x5a: {  	_ =	shalt  }
0x5b: {  	_ =	shalt  }
0x5c: {  	_ =	shalt  }
0x5d: {  	_ =	shalt  }
0x5e: {  	_ =	shalt  }
0x5f: {  	_ =	shalt  }
0x60: {  	_ =	shalt  }
0x61: {  	_ =	shalt  }
0x62: {  	_ =	shalt  }
0x63: {  	_ =	shalt  }
0x64: {  	_ =	shalt  }
0x65: {  	_ =	shalt  }
0x66: {  	_ =	shalt  }
0x67: {  	_ =	shalt  }
0x68: {  	_ =	shalt  }
0x69: {  	_ =	shalt  }
0x6a: {  	_ =	shalt  }
0x6b: {  	_ =	shalt  }
0x6c: {  	_ =	shalt  }
0x6d: {  	_ =	shalt  }
0x6e: {  	_ =	shalt  }
0x6f: {  	_ =	shalt  }
0x70: {  	_ =	shalt  }
0x71: {  	_ =	shalt  }
0x72: {  	_ =	shalt  }
0x73: {  	_ =	shalt  }
0x74: {  	_ =	shalt  }
0x75: {  	_ =	shalt  }
0x76: {  	_ =	shalt  }
0x77: {  	_ =	shalt  }
0x78: {  	_ =	shalt  }
0x79: {  	_ =	shalt  }
0x7a: {  	_ =	shalt  }
0x7b: {  	_ =	shalt  }
0x7c: {  	_ =	shalt  }
0x7d: {  	_ =	shalt  }
0x7e: {  	_ =	shalt  }
0x7f: {  	_ =	shalt  }
0x80: {  	_ =	shalt  }
0x81: {  	_ =	shalt  }
0x82: {  	_ =	shalt  }
0x83: {  	_ =	shalt  }
0x84: {  	_ =	shalt  }
0x85: {  	_ =	shalt  }
0x86: {  	_ =	shalt  }
0x87: {  	_ =	shalt  }
.Lfunc_end0:
.L_simem_size_0:
called_computation.1_lowered:
.L_overlay_start_0:
0x88: {  	s2 =	sld [smem:$0x3FD9]  }
0x89: {  	s3 =	sld [smem:$0x3FFE];
	_ =	sdelay $0x1  }
0x8a: {  	s1 =	srdreg.scid  }
0x8b: {  	s0 =	sand.u32 $0x1, s1  }
0x8c: {  	s17 =	sshll.u32 s0, $0xA;
	s2 =	sadd.s32 s3, s2  }
0x8d: {  	s2 =	sadd.s32 s2, s17  }
0x8e: {  	[smem:$0x3FBF] =	sst s2  }
0x8f: {  	_ = 	snop  }
0x90: {  	s2 =	sld [smem:$0x3FD0];
	(tm) =	ssettm $0x1  }
0x91: {  	s18 =	sld [smem:$0x3FFB];
	_ =	sdelay $0x3  }
0x92: {  	_ =	strace s18  }
0x93: {  	s3 =	sld [smem:$0x3FFC];
	_ =	sdelay $0x3  }
0x94: {  	_ =	strace s3  }
0x95: {  	s3 =	sld [smem:$0x3FFD];
	_ =	sdelay $0x3  }
0x96: {  	_ =	strace s3  }
0x97: {  	_ =	strace $0x8FFFFFFF  }
0x98: {  	s19 =	sld [smem:$0x3FDB];
	_ =	sdelay $0x1  }
0x99: {  	s4 =	simm.s32 $_scs_section_size  }
0x9a: {  	s5 =	simm.s32 $_size__tile_overlayer_lowered;
	s6 =	simm.s32 $_tile_overlayer_lowered  }
0x9b: {  	s22 =	simm.s32 $0x1BFF;
	s21 =	sshll.u32 s6, $0x1;
	s3 =	sadd.s32 s4, s19  }
0x9c: {  	s7 =	simm.s32 $0x0;
	s20 =	sshll.u32 s5, $0x1;
	s5 =	sadd.s32 s21, s3  }
0x9d: {  	[timem:s7], [sflag:s22] =	dma.local [hbm:s5], s20  }
0x9e: {  	_ =	swait.ge [sflag:s22], s20  }
0x9f: {  	s4 =	ssub.s32 $0x0, s20;
	[sflag:s22] =	ssyncset.done $0x0  }
0xa0: {  	[sflag:s22] =	ssyncadd.s32 s4;
	_ =	sdelay $0x1  }
0xa1: {  	s23 =	simm.s32 $0x1B8B  }
0xa2: {  	_ =	swait.ge [sflag:s23], $0x1  }
0xa3: {  	[sflag:s23] =	ssyncset.done $0x0  }
0xa4: {  	s25 =	simm.s32 $0x1B8E;
	s24 =	sld [smem:$0x3FFE];
	[sflag:s23] =	ssyncadd.s32 $0xFFFFFFFF  }
0xa5: {  	s26 =	simm.s32 $execute0_lowered;
	[smem:$0x3FD2] =	sst s25  }
0xa6: {  	s5 =	sshll.u32 s26, $0x1;
	_ =	strace $0x80000049;
	[dreg:$0x1] =	wrdreg $0xFFFFFFFF  }
0xa7: {  	s28 =	simm.s32 $_size_execute0_lowered;
	s3 =	sadd.s32 s3, s5;
	[dreg:$0x0] =	wrdreg $0x0  }
0xa8: {  	s5 =	sshll.u32 s28, $0x1;
	[dreg:$0x2] =	wrdreg s3  }
0xa9: {  	[dreg:$0x3] =	wrdreg s5  }
0xaa: {  	[dreg:$0x4] =	wrdreg $0xC0  }
0xab: {  	_ =	task [dreg:s7], $0x5FFFF  }
0xac: {  	[dreg:$0x1] =	wrdreg $0xFFFFFFFF  }
0xad: {  	[dreg:$0x0] =	wrdreg $0x60  }
0xae: {  	[dreg:$0x2] =	wrdreg s24  }
0xaf: {  	[dreg:$0x3] =	wrdreg s2  }
0xb0: {  	[dreg:$0x4] =	wrdreg $0x27800  }
0xb1: {  	[dreg:$0x5] =	wrdreg $0x9  }
0xb2: {  	_ =	task.clear_ibuf [dreg:s7], $0x6FFFF;
	_ =	strace $0x90000049  }
0xb3: {  	s29 =	simm.s32 $0x9;
	_ =	strace $0x8000004B  }
0xb4: {  	_ =	swait.ge [sflag:s29], $0x1  }
0xb5: {  	[sflag:s29] =	ssyncadd.s32 $0xFFFFFFFF  }
0xb6: {  	_ =	strace $0x9000004B  }
0xb7: {  	_ =	sfence  }
0xb8: {  	s30 =	sld [smem:$0x0];
	_ =	sdelay $0x2  }
0xb9: {  	s31 =	sshll.u32 s1, $0xD;
	s1 =	sshrl.u32 s1, $0x2  }
0xba: {  	s3 =	sand.u32 $0x4000, s31;
	s1 =	sadd.s32 s1, s30  }
0xbb: {  	s0 =	sor.u32 s3, s0;
	s1 =	sshll.u32 s1, $0x11  }
0xbc: {  	s0 =	sor.u32 s1, s0  }
0xbd: {  	s0 =	sadd.s32 $0x8F2B, s0  }
0xbe: {  	[sflag:s0] =	ssyncadd.remote.s32 $0x1  }
0xbf: {  	_ =	sfence.sel $0xFFFF  }
0xc0: {  	[dreg:$0x0] =	wrdreg $0xFFFFFFFF;
	(pc) =	sbr.abs _section_cstart, $3  }
0xc1: {  	[dreg:$0x1] =	wrdreg $0xFFFFFFFF  }
0xc2: {  	_ =	task.clear_ibuf [dreg:s7], $0x2FFFF;
	_ =	strace $0x9FFFFFFF  }
0xc3: {  	(tm) =	ssettm $0x7FFFFFFF  }
tec
execute0_lowered:
.L_overlay_start_1:
0x0: {  	(tag) =	ssettag $0x1  }
0x1: {  	s0 =	srdreg.scid  }
0x2: {  	s1 =	rddreg [dreg:$0x0];
	s14 =	stileid.u32  }
0x3: {  	s5 =	rddreg [dreg:$0x1];
	s3 =	simm.s32 $0x0;
	s15 =	simm.s32 $0xA  }
0x4: {  	s28 =	simm.s32 $0x7;
	s29 =	simm.s32 $0x2;
	s30 =	simm.s32 $0x8  }
0x5: {  	s31 =	simm.s32 $0x3;
	s0 =	sand.u32 $0x1, s0;
	s9 =	smul.u32 $0x13C00, s14  }
0x6: {  	[smem:$0x7FF] =	sst s3;
	s4 =	sadd.s32 $0xB200, s1;
	s11 =	smul.u32 $0x4F000, s14  }
0x7: {  	s10 =	sadd.s32 $0xA7600, s1;
	s25 =	smul.u32 $0x7D0, s14;
	s26 =	sshll.u32 s14, $0x6  }
0x8: {  	s2 =	sshll.u32 s0, $0x4;
	s8 =	smul.u32 $0x13C000, s0;
	s16 =	ssub.s32 $0x2, s0  }
0x9: {  	s0 =	smul.u32 $0x7D00, s0;
	s6 =	sor.u32 s14, s2;
	s2 =	rddreg [dreg:$0x2]  }
0xa: {  	_ =	strace $0x8000004A;
	[dreg:$0x4] =	wrdreg s10;
	s7 =	smul.u32 $0x4E2, s6  }
0xb: {  	s18 =	sshrl.u32 s16, $0x1;
	s20 =	sshrl.u32 s11, $0x2;
	s17 =	smul.u32 $0x3E80, s6  }
0xc: {  	s8 =	sadd.s32 s9, s8;
	s6 =	smul.u32 $0x7D0, s6;
	s21 =	sadd.s32 s20, s2  }
0xd: {  	s0 =	sadd.s32 s0, s5;
	s20 =	simm.s32 $0x16500;
	s8 =	sshrl.u32 s8, $0x3  }
0xe: {  	s14 =	sadd.s32 s25, s0;
	s25 =	simm.s32 $0x1B500;
	s0 =	simm.s32 $0x4  }
0xf: {  	s7 =	sadd.s32 s7, s1;
	s1 =	sadd.s32 s8, s1;
	s8 =	ssub.s32 s16, s18  }
0x10: {  	s19 =	sshrl.u32 s17, $0x3;
	s16 =	sor.u32 $0x1C0A, s26;
	s17 =	sshrl.u32 s21, $0x3  }
0x11: {  	s18 =	simm.s32 $0x16380;
	s21 =	simm.s32 $0x16400;
	s26 =	simm.s32 $0x1  }
0x12: {  	s7 =	sadd.s32 $0x1400, s7;
	s9 =	sadd.s32 s5, s19;
	s1 =	sadd.s32 $0xA9E00, s1  }
0x13: {  	s24 =	smax.u32 s8, $0x1;
	s19 =	simm.s32 $0x50;
	[dreg:$0x5] =	wrdreg s7  }
0x14: {  	s7 =	sadd.s32 s5, s6;
	s22 =	sadd.s32 $0x10, s9;
	[dreg:$0x8] =	wrdreg s1  }
0x15: {  	s23 =	sadd.s32 $0x20, s9;
	[dreg:$0x9] =	wrdreg s24;
	s1 =	simm.s32 $0x9  }
0x16: {  	s24 =	simm.s32 $0x5;
	s5 =	simm.s32 $0x6;
	[dreg:$0x6] =	wrdreg s22  }
0x17: {  	s6 =	simm.s32 $0x0;
	[dreg:$0x7] =	wrdreg s23;
	s12 =	sadd.s32 $0x7B0, s7  }
0x18: {  	s13 =	sadd.s32 $0x7C0, s7;
	s22 =	simm.s32 $0x18D00;
	s23 =	simm.s32 $0x16480  }
.LBB2_1:
0x19: {  	s8 =	rddreg [dreg:$0x5]  }
0x1a: {  	[tilespmem:s3], [sflag:$0xA] =	stream.linear.gather [hbm4b:s8+s3], $0x2710, $0x38;
	[tilespmem:$0x1DD00] =	vst v63  }
0x1b: {  	_ =	swait.ge [sflag:s15], $0x2710  }
0x1c: {  	[sflag:s15] =	ssyncset.done $0x0  }
0x1d: {  	s10 =	rddreg [dreg:$0x4];
	[sflag:s15] =	ssyncadd.s32 $0xFFFFD8F0  }
0x1e: {  	[spmem:s17], [sflag:s16] =	dma.local [hbm:s10], $0x2780  }
0x1f: {  	_ =	swait.ge [sflag:s15], $0x2780  }
0x20: {  	[sflag:s15] =	ssyncset.done $0x0  }
0x21: {  	[sflag:s15] =	ssyncadd.s32 $0xFFFFD880  }
0x22: {  	[bflag:$0x0] =	sbarrier.arrive $0xFFFF  }
0x23: {  	[tilespmem:s18], [sflag:$0x7] =	stream.linear.gather [hbm4b:s7+s3], $0x80, $0x38;
	[tilespmem:$0x1DD00] =	vst v63  }
0x24: {  	_ = 	snop  }
0x25: {  	[tilespmem:s20], [sflag:$0x1] =	stream.indirect.gather [hbm4b:s4+s19], $0x80, s3, s19, $0xb8;
	[tilespmem:$0x1DD00] =	vst v63  }
0x26: {  	s11 =	rddreg [dreg:$0x6]  }
0x27: {  	[tilespmem:s21], [sflag:$0x8] =	stream.linear.gather [hbm4b:s11+s3], $0x80, $0x38;
	[tilespmem:$0x1DD00] =	vst v63  }
0x28: {  	_ = 	snop  }
0x29: {  	[tilespmem:s22], [sflag:$0x2] =	stream.indirect.gather [hbm4b:s4+s19], $0x80, s19, s19, $0xb8;
	[tilespmem:$0x1DD00] =	vst v63  }
0x2a: {  	s9 =	rddreg [dreg:$0x7]  }
0x2b: {  	[tilespmem:s23], [sflag:$0x9] =	stream.linear.gather [hbm4b:s9+s3], $0x80, $0x38;
	[tilespmem:$0x1DD00] =	vst v63  }
0x2c: {  	s10 =	simm.s32 $0xA0  }
0x2d: {  	[tilespmem:s25], [sflag:$0x3] =	stream.indirect.gather [hbm4b:s4+s19], $0x80, s10, s19, $0xb8;
	[tilespmem:$0x1DD00] =	vst v63  }
0x2e: {  	_ =	swait.ge [sflag:s26], $0x2800  }
0x2f: {  	[sflag:s26] =	ssyncset.done $0x0  }
0x30: {  	[sflag:s26] =	ssyncadd.s32 $0xFFFFD800  }
0x31: {  	_ =	swait.ge [sflag:s28], $0x80  }
0x32: {  	[sflag:s28] =	ssyncset.done $0x0  }
0x33: {  	[sflag:s28] =	ssyncadd.s32 $0xFFFFFF80  }
0x34: {  	[spmem:s2] =	stream.indirect.scatter.add.f32 [tilespmem:s20], [sflag:$0x4], $0x80, s18, s19, $0xb8;
	[tilespmem:$0x1DD00] =	vst v63  }
0x35: {  	_ =	swait.ge [sflag:s29], $0x2800  }
0x36: {  	[sflag:s29] =	ssyncset.done $0x0  }
0x37: {  	[sflag:s29] =	ssyncadd.s32 $0xFFFFD800  }
0x38: {  	_ =	swait.ge [sflag:s30], $0x80  }
0x39: {  	[sflag:s30] =	ssyncset.done $0x0  }
0x3a: {  	[sflag:s30] =	ssyncadd.s32 $0xFFFFFF80  }
0x3b: {  	[spmem:s2] =	stream.indirect.scatter.add.f32 [tilespmem:s22], [sflag:$0x5], $0x80, s21, s19, $0xb8;
	[tilespmem:$0x1DD00] =	vst v63  }
0x3c: {  	_ =	swait.ge [sflag:s31], $0x2800  }
0x3d: {  	[sflag:s31] =	ssyncset.done $0x0  }
0x3e: {  	[sflag:s31] =	ssyncadd.s32 $0xFFFFD800  }
0x3f: {  	_ =	swait.ge [sflag:s1], $0x80  }
0x40: {  	[sflag:s1] =	ssyncset.done $0x0  }
0x41: {  	[sflag:s1] =	ssyncadd.s32 $0xFFFFFF80  }
0x42: {  	[spmem:s2] =	stream.indirect.scatter.add.f32 [tilespmem:s25], [sflag:$0x6], $0x80, s23, s19, $0xb8;
	[tilespmem:$0x1DD00] =	vst v63  }
0x43: {  	_ =	swait.ge [sflag:s0], $0x2800  }
0x44: {  	[sflag:s0] =	ssyncset.done $0x0  }
0x45: {  	s11 =	simm.s32 $0xF0;
	s9 =	sadd.s32 $0x0, s14;
	[sflag:s0] =	ssyncadd.s32 $0xFFFFD800  }
0x46: {  	[tilespmem:s20], [sflag:$0x1] =	stream.indirect.gather [hbm4b:s4+s19], $0x80, s11, s19, $0xb8;
	[tilespmem:$0x1DD00] =	vst v63  }
0x47: {  	s10 =	sadd.s32 $0x30, s9  }
0x48: {  	[tilespmem:s18], [sflag:$0x7] =	stream.linear.gather [hbm4b:s10+s3], $0x80, $0x38;
	[tilespmem:$0x1DD00] =	vst v63  }
0x49: {  	_ =	swait.ge [sflag:s24], $0x2800  }
0x4a: {  	[sflag:s24] =	ssyncset.done $0x0  }
0x4b: {  	s11 =	simm.s32 $0x140;
	[sflag:s24] =	ssyncadd.s32 $0xFFFFD800  }
0x4c: {  	[tilespmem:s22], [sflag:$0x2] =	stream.indirect.gather [hbm4b:s4+s19], $0x80, s11, s19, $0xb8;
	[tilespmem:$0x1DD00] =	vst v63  }
0x4d: {  	s10 =	sadd.s32 $0x40, s9  }
0x4e: {  	[tilespmem:s21], [sflag:$0x8] =	stream.linear.gather [hbm4b:s10+s3], $0x80, $0x38;
	[tilespmem:$0x1DD00] =	vst v63  }
0x4f: {  	_ =	swait.ge [sflag:s5], $0x2800  }
0x50: {  	s8 =	simm.s32 $0x30;
	s11 =	simm.s32 $0x190;
	[sflag:s5] =	ssyncset.done $0x0  }
0x51: {  	s10 =	sadd.s32 $0x50, s9;
	s9 =	simm.s32 $0x280;
	[sflag:s5] =	ssyncadd.s32 $0xFFFFD800  }
0x52: {  	[tilespmem:s25], [sflag:$0x3] =	stream.indirect.gather [hbm4b:s4+s19], $0x80, s11, s19, $0xb8;
	[tilespmem:$0x1DD00] =	vst v63  }
.LBB2_2:
0x53: {  	[tilespmem:s23], [sflag:$0x9] =	stream.linear.gather [hbm4b:s10+s3], $0x80, $0x38;
	[tilespmem:$0x1DD00] =	vst v63  }
0x54: {  	s10 =	smov.u32 s8  }
0x55: {  	p0 =	sne.s32 s8, $0x750;
	s8 =	sadd.s32 $0x30, s8;
	_ =	swait.ge [sflag:s26], $0x2800  }
0x56: {  	[sflag:s26] =	ssyncset.done $0x0  }
0x57: {  	[sflag:s26] =	ssyncadd.s32 $0xFFFFD800  }
0x58: {  	_ =	swait.ge [sflag:s28], $0x80  }
0x59: {  	[sflag:s28] =	ssyncset.done $0x0  }
0x5a: {  	[sflag:s28] =	ssyncadd.s32 $0xFFFFFF80  }
0x5b: {  	[spmem:s2] =	stream.indirect.scatter.add.f32 [tilespmem:s20], [sflag:$0x4], $0x80, s18, s19, $0xb8;
	[tilespmem:$0x1DD00] =	vst v63  }
0x5c: {  	_ =	swait.ge [sflag:s29], $0x2800  }
0x5d: {  	[sflag:s29] =	ssyncset.done $0x0  }
0x5e: {  	[sflag:s29] =	ssyncadd.s32 $0xFFFFD800  }
0x5f: {  	_ =	swait.ge [sflag:s30], $0x80  }
0x60: {  	[sflag:s30] =	ssyncset.done $0x0  }
0x61: {  	[sflag:s30] =	ssyncadd.s32 $0xFFFFFF80  }
0x62: {  	[spmem:s2] =	stream.indirect.scatter.add.f32 [tilespmem:s22], [sflag:$0x5], $0x80, s21, s19, $0xb8;
	[tilespmem:$0x1DD00] =	vst v63  }
0x63: {  	_ =	swait.ge [sflag:s31], $0x2800  }
0x64: {  	[sflag:s31] =	ssyncset.done $0x0  }
0x65: {  	[sflag:s31] =	ssyncadd.s32 $0xFFFFD800  }
0x66: {  	_ =	swait.ge [sflag:s1], $0x80  }
0x67: {  	[sflag:s1] =	ssyncset.done $0x0  }
0x68: {  	[sflag:s1] =	ssyncadd.s32 $0xFFFFFF80  }
0x69: {  	[spmem:s2] =	stream.indirect.scatter.add.f32 [tilespmem:s25], [sflag:$0x6], $0x80, s23, s19, $0xb8;
	[tilespmem:$0x1DD00] =	vst v63  }
0x6a: {  	_ =	swait.ge [sflag:s0], $0x2800  }
0x6b: {  	[sflag:s0] =	ssyncset.done $0x0  }
0x6c: {  	s11 =	sadd.s32 $0xFFFFFF60, s9;
	s10 =	sadd.s32 s10, s14;
	[sflag:s0] =	ssyncadd.s32 $0xFFFFD800  }
0x6d: {  	[tilespmem:s20], [sflag:$0x1] =	stream.indirect.gather [hbm4b:s4+s19], $0x80, s11, s19, $0xb8;
	[tilespmem:$0x1DD00] =	vst v63  }
0x6e: {  	s11 =	sadd.s32 $0x30, s10  }
0x6f: {  	[tilespmem:s18], [sflag:$0x7] =	stream.linear.gather [hbm4b:s11+s3], $0x80, $0x38;
	[tilespmem:$0x1DD00] =	vst v63  }
0x70: {  	_ =	swait.ge [sflag:s24], $0x2800  }
0x71: {  	[sflag:s24] =	ssyncset.done $0x0  }
0x72: {  	s11 =	sadd.s32 $0xFFFFFFB0, s9;
	[sflag:s24] =	ssyncadd.s32 $0xFFFFD800  }
0x73: {  	[tilespmem:s22], [sflag:$0x2] =	stream.indirect.gather [hbm4b:s4+s19], $0x80, s11, s19, $0xb8;
	[tilespmem:$0x1DD00] =	vst v63  }
0x74: {  	s11 =	sadd.s32 $0x40, s10  }
0x75: {  	[tilespmem:s21], [sflag:$0x8] =	stream.linear.gather [hbm4b:s11+s3], $0x80, $0x38;
	[tilespmem:$0x1DD00] =	vst v63  }
.Ltmp0:
0x76: {  	_ =	swait.ge [sflag:s5], $0x2800;
	(pc) =	sbr.rel @p0 .LBB2_2-.Ltmp0, $4  }
0x77: {  	[sflag:s5] =	ssyncset.done $0x0  }
0x78: {  	[sflag:s5] =	ssyncadd.s32 $0xFFFFD800  }
0x79: {  	[tilespmem:s25], [sflag:$0x3] =	stream.indirect.gather [hbm4b:s4+s19], $0x80, s9, s19, $0xb8;
	[tilespmem:$0x1DD00] =	vst v63  }
0x7a: {  	s10 =	sadd.s32 $0x50, s10;
	s9 =	sadd.s32 $0xF0, s9  }
0x7b: {  	[tilespmem:s23], [sflag:$0x9] =	stream.linear.gather [hbm4b:s10+s3], $0x80, $0x38;
	[tilespmem:$0x1DD00] =	vst v63  }
0x7c: {  	_ =	swait.ge [sflag:s26], $0x2800  }
0x7d: {  	[sflag:s26] =	ssyncset.done $0x0  }
0x7e: {  	[sflag:s26] =	ssyncadd.s32 $0xFFFFD800  }
0x7f: {  	_ =	swait.ge [sflag:s28], $0x80  }
0x80: {  	[sflag:s28] =	ssyncset.done $0x0  }
0x81: {  	[sflag:s28] =	ssyncadd.s32 $0xFFFFFF80  }
0x82: {  	[spmem:s2] =	stream.indirect.scatter.add.f32 [tilespmem:s20], [sflag:$0x4], $0x80, s18, s19, $0xb8;
	[tilespmem:$0x1DD00] =	vst v63  }
0x83: {  	_ =	swait.ge [sflag:s29], $0x2800  }
0x84: {  	[sflag:s29] =	ssyncset.done $0x0  }
0x85: {  	[sflag:s29] =	ssyncadd.s32 $0xFFFFD800  }
0x86: {  	_ =	swait.ge [sflag:s30], $0x80  }
0x87: {  	[sflag:s30] =	ssyncset.done $0x0  }
0x88: {  	[sflag:s30] =	ssyncadd.s32 $0xFFFFFF80  }
0x89: {  	[spmem:s2] =	stream.indirect.scatter.add.f32 [tilespmem:s22], [sflag:$0x5], $0x80, s21, s19, $0xb8;
	[tilespmem:$0x1DD00] =	vst v63  }
0x8a: {  	_ =	swait.ge [sflag:s31], $0x2800  }
0x8b: {  	[sflag:s31] =	ssyncset.done $0x0  }
0x8c: {  	[sflag:s31] =	ssyncadd.s32 $0xFFFFD800  }
0x8d: {  	_ =	swait.ge [sflag:s1], $0x80  }
0x8e: {  	[sflag:s1] =	ssyncset.done $0x0  }
0x8f: {  	[sflag:s1] =	ssyncadd.s32 $0xFFFFFF80  }
0x90: {  	[spmem:s2] =	stream.indirect.scatter.add.f32 [tilespmem:s25], [sflag:$0x6], $0x80, s23, s19, $0xb8;
	[tilespmem:$0x1DD00] =	vst v63  }
0x91: {  	_ =	swait.ge [sflag:s0], $0x2800  }
0x92: {  	[sflag:s0] =	ssyncset.done $0x0  }
0x93: {  	s8 =	simm.s32 $0x2670;
	[sflag:s0] =	ssyncadd.s32 $0xFFFFD800  }
0x94: {  	[tilespmem:s20], [sflag:$0x1] =	stream.indirect.gather [hbm4b:s4+s19], $0x80, s8, s19, $0xb8;
	[tilespmem:$0x1DD00] =	vst v63  }
0x95: {  	_ = 	snop  }
0x96: {  	[tilespmem:s18], [sflag:$0x7] =	stream.linear.gather [hbm4b:s12+s3], $0x80, $0x38;
	[tilespmem:$0x1DD00] =	vst v63  }
0x97: {  	_ =	swait.ge [sflag:s24], $0x2800  }
0x98: {  	[sflag:s24] =	ssyncset.done $0x0  }
0x99: {  	s9 =	simm.s32 $0x26C0;
	[sflag:s24] =	ssyncadd.s32 $0xFFFFD800  }
0x9a: {  	[tilespmem:s22], [sflag:$0x2] =	stream.indirect.gather [hbm4b:s4+s19], $0x80, s9, s19, $0xb8;
	[tilespmem:$0x1DD00] =	vst v63  }
0x9b: {  	_ = 	snop  }
0x9c: {  	[tilespmem:s21], [sflag:$0x8] =	stream.linear.gather [hbm4b:s13+s3], $0x80, $0x38;
	[tilespmem:$0x1DD00] =	vst v63  }
0x9d: {  	_ =	swait.ge [sflag:s5], $0x2800  }
0x9e: {  	[sflag:s5] =	ssyncset.done $0x0  }
0x9f: {  	[sflag:s5] =	ssyncadd.s32 $0xFFFFD800  }
0xa0: {  	_ =	swait.ge [sflag:s26], $0x2800  }
0xa1: {  	[sflag:s26] =	ssyncset.done $0x0  }
0xa2: {  	[sflag:s26] =	ssyncadd.s32 $0xFFFFD800  }
0xa3: {  	_ =	swait.ge [sflag:s28], $0x80  }
0xa4: {  	[sflag:s28] =	ssyncset.done $0x0  }
0xa5: {  	[sflag:s28] =	ssyncadd.s32 $0xFFFFFF80  }
0xa6: {  	[spmem:s2] =	stream.indirect.scatter.add.f32 [tilespmem:s20], [sflag:$0x4], $0x80, s18, s19, $0xb8;
	[tilespmem:$0x1DD00] =	vst v63  }
0xa7: {  	_ =	swait.ge [sflag:s29], $0x2800  }
0xa8: {  	[sflag:s29] =	ssyncset.done $0x0  }
0xa9: {  	[sflag:s29] =	ssyncadd.s32 $0xFFFFD800  }
0xaa: {  	_ =	swait.ge [sflag:s30], $0x80  }
0xab: {  	[sflag:s30] =	ssyncset.done $0x0  }
0xac: {  	[sflag:s30] =	ssyncadd.s32 $0xFFFFFF80  }
0xad: {  	[spmem:s2] =	stream.indirect.scatter.add.f32 [tilespmem:s22], [sflag:$0x5], $0x80, s21, s19, $0xb8;
	[tilespmem:$0x1DD00] =	vst v63  }
0xae: {  	_ =	swait.ge [sflag:s0], $0x2800  }
0xaf: {  	[sflag:s0] =	ssyncset.done $0x0  }
0xb0: {  	[sflag:s0] =	ssyncadd.s32 $0xFFFFD800  }
0xb1: {  	_ =	swait.ge [sflag:s24], $0x2800  }
0xb2: {  	[sflag:s24] =	ssyncset.done $0x0  }
0xb3: {  	[sflag:s24] =	ssyncadd.s32 $0xFFFFD800  }
0xb4: {  	[bflag:$0x0] =	sbarrier.arrive $0xFFFF  }
0xb5: {  	s10 =	rddreg [dreg:$0x8]  }
0xb6: {  	[hbm:s10], [sflag:s16] =	dma.local [spmem:s17], $0x2780  }
0xb7: {  	_ =	swait.ge [sflag:s15], $0x2780  }
0xb8: {  	s6 =	sadd.s32 $0x1, s6;
	s11 =	rddreg [dreg:$0x9]  }
0xb9: {  	p0 =	sne.s32 s6, s11  }
.Ltmp1:
0xba: {  	_ = 	snop;
	(pc) =	sbr.rel @p0 .LBB2_1-.Ltmp1, $3  }
0xbb: {  	_ =	sdelay $0x1  }
0xbc: {  	[sflag:s15] =	ssyncset.done $0x0  }
0xbd: {  	[sflag:s15] =	ssyncadd.s32 $0xFFFFD880  }
0xbe: {  	_ =	sfence.sel $0x180000  }
0xbf: {  	[bflag:$0x0] =	sbarrier.arrive $0xFFFF  }
0xc0: {  	_ =	strace $0x9000004A  }
0xc1: {  	s0 =	stileid.u32;
	[bflag:$0x2] =	sbarrier.arrive $0xFFFF  }
0xc2: {  	p0 =	sne.s32 s0, $0x0;
	s0 =	rddreg [dreg:$0x3]  }
0xc3: {  	s0 =	sadd.s32 @!p0 $0x100000, s0  }
0xc4: {  	[sflag:s0] =	ssyncadd.tile.s32 @!p0 $0x1;
	_ =	shalt  }
.Lfunc_end2:
_tile_overlayer_lowered:
.L_overlay_start_2:
0xc5: {  	(tag) =	ssettag $0x2  }
0xc6: {  	s0 =	rddreg [dreg:$0x0];
	s2 =	stileid.u32  }
0xc7: {  	s1 =	rddreg [dreg:$0x1];
	p0 =	sne.s32 s2, $0x0  }
0xc8: {  	s3 =	rddreg [dreg:$0x2];
	[bflag:$0x3] =	sbarrier.arrive $0xFFFF;
	s2 =	simm.s32 @!p0 $0x1C0A  }
0xc9: {  	[timem:s3], [sflag:s2] =	dma.local @!p0 [hbm:s0], s1  }
0xca: {  	s0 =	simm.s32 @!p0 $0xA  }
0xcb: {  	_ =	swait.ge @!p0 [sflag:s0], s1  }
0xcc: {  	s1 =	ssub.s32 @!p0 $0x0, s1;
	[sflag:s0] =	ssyncset.done @!p0 $0x0  }
0xcd: {  	[sflag:s0] =	ssyncadd.s32 @!p0 s1  }
0xce: {  	[bflag:$0x3] =	sbarrier.arrive $0xFFFF  }
0xcf: {  	_ =	shalt  }

// kernel: kernel.7.cloned.1.call-start
scs
__scs_entry_jumppad:
0x0: {  	(pc) =	sbr.rel $0x88, $3  }
0x1: {  	(tag) =	ssettag $0x0;
	lr =	simm.s32 $0x1  }
0x2: {  	[smem:$0x3F98] =	sst lr;
	_ =	strace $0xD0000000  }
0x3: {  	_ = 	snop  }
0x4: {  	_ = 	snop  }
0x5: {  	_ = 	snop  }
0x6: {  	_ = 	snop  }
0x7: {  	_ = 	snop  }
__scs_overlays_trampoline_lowered:
0x8: {  	[smem:$0x3FA7] =	sst s0  }
0x9: {  	[smem:$0x3FA8] =	sst s1  }
0xa: {  	[smem:$0x3FA9] =	sst s2  }
0xb: {  	[smem:$0x3FAA] =	sst s3  }
0xc: {  	[smem:$0x3FAB] =	sst s4  }
0xd: {  	[smem:$0x3FAC] =	sst s5  }
0xe: {  	[smem:$0x3FAD] =	sst s6  }
0xf: {  	[smem:$0x3FAE] =	sst s7  }
0x10: {  	[smem:$0x3FAF] =	sst s8  }
0x11: {  	[smem:$0x3FB0] =	sst s9;
	s0 =	simm.s32 @!p0 $0x0  }
0x12: {  	s1 =	sld [smem:$0x3F96];
	s0 =	simm.s32 @p0 $0x1  }
0x13: {  	[smem:$0x3FB1] =	sst s0;
	s0 =	simm.s32 @!p1 $0x0  }
0x14: {  	s2 =	sld [smem:$0x3F95];
	s0 =	simm.s32 @p1 $0x1  }
0x15: {  	[smem:$0x3FB2] =	sst s0;
	s0 =	simm.s32 @!p2 $0x0  }
0x16: {  	s3 =	sld [smem:$0x3FDB];
	s0 =	simm.s32 @p2 $0x1  }
0x17: {  	s4 =	simm.s32 $0x1BF5;
	[smem:$0x3FB4] =	sst s0  }
0x18: {  	s0 =	sld [smem:$0x3F97];
	_ =	swait.ge [sflag:s4], $0x0  }
0x19: {  	s7 =	sld [smem:$0x3F98]  }
0x1a: {  	s8 =	sadd.s32 $0xFFFFE003, lr  }
0x1b: {  	s9 =	sadd.s32 $0xFFFFFEF7, lr;
	s5 =	simm.s32 $0xFFFFFFFF;
	p2 =	slt.u32 s8, $0xFFFFF086  }
0x1c: {  	p1 =	slt.u32 s9, $0xF7A;
	s5 =	simm.s32 @!p2 $0x0  }
0x1d: {  	s5 =	simm.s32 @p1 $0x1;
	p0 =	seq.s32 s7, s2  }
0x1e: {  	s7 =	smul.u32 @!p0 $0xF7A, s2;
	p2 =	seq.s32 @!p0 s5, $0x0  }
0x1f: {  	s9 =	smul.u32 $0xF7A, s1;
	s8 =	simm.s32 @!p0 $0x1BF5;
	p2 =	por !p2, p0  }
0x20: {  	[sflag:s8] =	ssyncset.s32 @!p0 $0xFFFFF086;
	s6 =	sadd.s32 @!p0 s3, s7;
	s7 =	simm.s32 @!p0 $0x108  }
0x21: {  	s3 =	sadd.s32 s3, s9;
	s6 =	sadd.s32 @!p0 $0x88, s6;
	s7 =	simm.s32 @p2 $0x1082  }
0x22: {  	[simem:s7], [sflag:s8] =	dma.local @!p0 [hbm:s6], $0xF7A  }
0x23: {  	s9 =	sor.u32 $0xD0000000, s2;
	s6 =	simm.s32 $0x108;
	_ =	swait.ge @!p0 [sflag:s8], $0x0  }
0x24: {  	s3 =	sadd.s32 $0x88, s3;
	s6 =	simm.s32 @!p1 $0x1082;
	[sflag:s4] =	ssyncset.s32 $0xFFFFF086  }
0x25: {  	[simem:s6], [sflag:s4] =	dma.local [hbm:s3], $0xF7A  }
0x26: {  	[smem:$0x3F98] =	sst s1;
	(tag) =	ssettag s2;
	_ =	strace s9  }
0x27: {  	s1 =	sld [smem:$0x3FA8]  }
0x28: {  	s2 =	sld [smem:$0x3FA9]  }
0x29: {  	s4 =	sld [smem:$0x3FAB]  }
0x2a: {  	p0 =	seq.s32 s5, $0x0;
	s5 =	sld [smem:$0x3FAC]  }
0x2b: {  	s6 =	sld [smem:$0x3FAD]  }
0x2c: {  	s7 =	sld [smem:$0x3FAE]  }
0x2d: {  	s3 =	simm.s32 $0x108;
	s8 =	sld [smem:$0x3FAF]  }
0x2e: {  	s3 =	simm.s32 @!p0 $0x1082;
	s9 =	sld [smem:$0x3FB0]  }
0x2f: {  	lr =	sadd.s32 s0, s3;
	s0 =	sld [smem:$0x3FA7]  }
0x30: {  	s3 =	sld [smem:$0x3FAA]  }
0x31: {  	[smem:$0x3FB3] =	sst s10  }
0x32: {  	s10 =	sld [smem:$0x3FB1];
	_ =	sdelay $0x3  }
0x33: {  	p0 =	seq.s32 s10, $0x1;
	s10 =	sld [smem:$0x3FB3];
	_ =	sdelay $0x3  }
0x34: {  	[smem:$0x3FB3] =	sst s10  }
0x35: {  	s10 =	sld [smem:$0x3FB2];
	_ =	sdelay $0x3  }
0x36: {  	p1 =	seq.s32 s10, $0x1;
	s10 =	sld [smem:$0x3FB3];
	_ =	sdelay $0x3  }
0x37: {  	[smem:$0x3FB3] =	sst s10  }
0x38: {  	s10 =	sld [smem:$0x3FB4]  }
0x39: {  	_ = 	snop;
	(pc) =	sbr.ind lr, $3  }
0x3a: {  	_ = 	snop  }
0x3b: {  	_ = 	snop  }
0x3c: {  	p2 =	seq.s32 s10, $0x1;
	s10 =	sld [smem:$0x3FB3]  }
0x3d: {  	_ =	shalt  }
0x3e: {  	_ =	shalt  }
0x3f: {  	_ =	shalt  }
0x40: {  	_ =	shalt  }
0x41: {  	_ =	shalt  }
0x42: {  	_ =	shalt  }
0x43: {  	_ =	shalt  }
0x44: {  	_ =	shalt  }
0x45: {  	_ =	shalt  }
0x46: {  	_ =	shalt  }
0x47: {  	_ =	shalt  }
0x48: {  	_ =	shalt  }
0x49: {  	_ =	shalt  }
0x4a: {  	_ =	shalt  }
0x4b: {  	_ =	shalt  }
0x4c: {  	_ =	shalt  }
0x4d: {  	_ =	shalt  }
0x4e: {  	_ =	shalt  }
0x4f: {  	_ =	shalt  }
0x50: {  	_ =	shalt  }
0x51: {  	_ =	shalt  }
0x52: {  	_ =	shalt  }
0x53: {  	_ =	shalt  }
0x54: {  	_ =	shalt  }
0x55: {  	_ =	shalt  }
0x56: {  	_ =	shalt  }
0x57: {  	_ =	shalt  }
0x58: {  	_ =	shalt  }
0x59: {  	_ =	shalt  }
0x5a: {  	_ =	shalt  }
0x5b: {  	_ =	shalt  }
0x5c: {  	_ =	shalt  }
0x5d: {  	_ =	shalt  }
0x5e: {  	_ =	shalt  }
0x5f: {  	_ =	shalt  }
0x60: {  	_ =	shalt  }
0x61: {  	_ =	shalt  }
0x62: {  	_ =	shalt  }
0x63: {  	_ =	shalt  }
0x64: {  	_ =	shalt  }
0x65: {  	_ =	shalt  }
0x66: {  	_ =	shalt  }
0x67: {  	_ =	shalt  }
0x68: {  	_ =	shalt  }
0x69: {  	_ =	shalt  }
0x6a: {  	_ =	shalt  }
0x6b: {  	_ =	shalt  }
0x6c: {  	_ =	shalt  }
0x6d: {  	_ =	shalt  }
0x6e: {  	_ =	shalt  }
0x6f: {  	_ =	shalt  }
0x70: {  	_ =	shalt  }
0x71: {  	_ =	shalt  }
0x72: {  	_ =	shalt  }
0x73: {  	_ =	shalt  }
0x74: {  	_ =	shalt  }
0x75: {  	_ =	shalt  }
0x76: {  	_ =	shalt  }
0x77: {  	_ =	shalt  }
0x78: {  	_ =	shalt  }
0x79: {  	_ =	shalt  }
0x7a: {  	_ =	shalt  }
0x7b: {  	_ =	shalt  }
0x7c: {  	_ =	shalt  }
0x7d: {  	_ =	shalt  }
0x7e: {  	_ =	shalt  }
0x7f: {  	_ =	shalt  }
0x80: {  	_ =	shalt  }
0x81: {  	_ =	shalt  }
0x82: {  	_ =	shalt  }
0x83: {  	_ =	shalt  }
0x84: {  	_ =	shalt  }
0x85: {  	_ =	shalt  }
0x86: {  	_ =	shalt  }
0x87: {  	_ =	shalt  }
.Lfunc_end0:
.L_simem_size_0:
called_computation_lowered:
.L_overlay_start_0:
0x88: {  	s2 =	sld [smem:$0x3FD9]  }
0x89: {  	s3 =	sld [smem:$0x3FFE];
	_ =	sdelay $0x1  }
0x8a: {  	s1 =	srdreg.scid  }
0x8b: {  	s0 =	sand.u32 $0x1, s1  }
0x8c: {  	s17 =	sshll.u32 s0, $0xA;
	s2 =	sadd.s32 s3, s2  }
0x8d: {  	s2 =	sadd.s32 s2, s17  }
0x8e: {  	[smem:$0x3FBF] =	sst s2  }
0x8f: {  	_ = 	snop  }
0x90: {  	s2 =	sld [smem:$0x3FD0];
	(tm) =	ssettm $0x1  }
0x91: {  	s18 =	sld [smem:$0x3FFB];
	_ =	sdelay $0x3  }
0x92: {  	_ =	strace s18  }
0x93: {  	s3 =	sld [smem:$0x3FFC];
	_ =	sdelay $0x3  }
0x94: {  	_ =	strace s3  }
0x95: {  	s3 =	sld [smem:$0x3FFD];
	_ =	sdelay $0x3  }
0x96: {  	_ =	strace s3  }
0x97: {  	_ =	strace $0x8FFFFFFF  }
0x98: {  	s19 =	sld [smem:$0x3FDB];
	_ =	sdelay $0x1  }
0x99: {  	s4 =	simm.s32 $_scs_section_size  }
0x9a: {  	s5 =	simm.s32 $_size__tile_overlayer_lowered;
	s6 =	simm.s32 $_tile_overlayer_lowered  }
0x9b: {  	s22 =	simm.s32 $0x1BFF;
	s21 =	sshll.u32 s6, $0x1;
	s3 =	sadd.s32 s4, s19  }
0x9c: {  	s7 =	simm.s32 $0x0;
	s20 =	sshll.u32 s5, $0x1;
	s5 =	sadd.s32 s21, s3  }
0x9d: {  	[timem:s7], [sflag:s22] =	dma.local [hbm:s5], s20  }
0x9e: {  	_ =	swait.ge [sflag:s22], s20  }
0x9f: {  	s4 =	ssub.s32 $0x0, s20;
	[sflag:s22] =	ssyncset.done $0x0  }
0xa0: {  	[sflag:s22] =	ssyncadd.s32 s4;
	_ =	sdelay $0x1  }
0xa1: {  	s23 =	simm.s32 $0x1B8B  }
0xa2: {  	_ =	swait.ge [sflag:s23], $0x1  }
0xa3: {  	[sflag:s23] =	ssyncset.done $0x0  }
0xa4: {  	s25 =	simm.s32 $0x1B8E;
	s24 =	sld [smem:$0x3FFE];
	[sflag:s23] =	ssyncadd.s32 $0xFFFFFFFF  }
0xa5: {  	s26 =	simm.s32 $execute0_lowered;
	[smem:$0x3FD2] =	sst s25  }
0xa6: {  	s5 =	sshll.u32 s26, $0x1;
	_ =	strace $0x80000046;
	[dreg:$0x1] =	wrdreg $0xFFFFFFFF  }
0xa7: {  	s28 =	simm.s32 $_size_execute0_lowered;
	s3 =	sadd.s32 s3, s5;
	[dreg:$0x0] =	wrdreg $0x0  }
0xa8: {  	s5 =	sshll.u32 s28, $0x1;
	[dreg:$0x2] =	wrdreg s3  }
0xa9: {  	[dreg:$0x3] =	wrdreg s5  }
0xaa: {  	[dreg:$0x4] =	wrdreg $0xC0  }
0xab: {  	_ =	task [dreg:s7], $0x5FFFF  }
0xac: {  	[dreg:$0x1] =	wrdreg $0xFFFFFFFF  }
0xad: {  	[dreg:$0x0] =	wrdreg $0x60  }
0xae: {  	[dreg:$0x2] =	wrdreg s24  }
0xaf: {  	[dreg:$0x3] =	wrdreg s2  }
0xb0: {  	[dreg:$0x4] =	wrdreg $0x27800  }
0xb1: {  	[dreg:$0x5] =	wrdreg $0x9  }
0xb2: {  	_ =	task.clear_ibuf [dreg:s7], $0x6FFFF;
	_ =	strace $0x90000046  }
0xb3: {  	s29 =	simm.s32 $0x9;
	_ =	strace $0x80000048  }
0xb4: {  	_ =	swait.ge [sflag:s29], $0x1  }
0xb5: {  	[sflag:s29] =	ssyncadd.s32 $0xFFFFFFFF  }
0xb6: {  	_ =	strace $0x90000048  }
0xb7: {  	_ =	sfence  }
0xb8: {  	s30 =	sld [smem:$0x0];
	_ =	sdelay $0x2  }
0xb9: {  	s31 =	sshll.u32 s1, $0xD;
	s1 =	sshrl.u32 s1, $0x2  }
0xba: {  	s3 =	sand.u32 $0x4000, s31;
	s1 =	sadd.s32 s1, s30  }
0xbb: {  	s0 =	sor.u32 s3, s0;
	s1 =	sshll.u32 s1, $0x11  }
0xbc: {  	s0 =	sor.u32 s1, s0  }
0xbd: {  	s0 =	sadd.s32 $0x8F2B, s0  }
0xbe: {  	[sflag:s0] =	ssyncadd.remote.s32 $0x1  }
0xbf: {  	_ =	sfence.sel $0xFFFF  }
0xc0: {  	[dreg:$0x0] =	wrdreg $0xFFFFFFFF;
	(pc) =	sbr.abs _section_cstart, $3  }
0xc1: {  	[dreg:$0x1] =	wrdreg $0xFFFFFFFF  }
0xc2: {  	_ =	task.clear_ibuf [dreg:s7], $0x2FFFF;
	_ =	strace $0x9FFFFFFF  }
0xc3: {  	(tm) =	ssettm $0x7FFFFFFF  }
tec
execute0_lowered:
.L_overlay_start_1:
0x0: {  	(tag) =	ssettag $0x1  }
0x1: {  	s0 =	srdreg.scid  }
0x2: {  	s1 =	rddreg [dreg:$0x0];
	s14 =	stileid.u32  }
0x3: {  	s5 =	rddreg [dreg:$0x1];
	s3 =	simm.s32 $0x0;
	s15 =	simm.s32 $0xA  }
0x4: {  	s28 =	simm.s32 $0x7;
	s29 =	simm.s32 $0x2;
	s30 =	simm.s32 $0x8  }
0x5: {  	s31 =	simm.s32 $0x3;
	s0 =	sand.u32 $0x1, s0;
	s9 =	smul.u32 $0x13C00, s14  }
0x6: {  	[smem:$0x7FF] =	sst s3;
	s4 =	sadd.s32 $0xB200, s1;
	s11 =	smul.u32 $0x4F000, s14  }
0x7: {  	s10 =	sadd.s32 $0xA7600, s1;
	s25 =	smul.u32 $0x7D0, s14;
	s26 =	sshll.u32 s14, $0x6  }
0x8: {  	s2 =	sshll.u32 s0, $0x4;
	s8 =	smul.u32 $0x13C000, s0;
	s16 =	ssub.s32 $0x2, s0  }
0x9: {  	s0 =	smul.u32 $0x7D00, s0;
	s6 =	sor.u32 s14, s2;
	s2 =	rddreg [dreg:$0x2]  }
0xa: {  	_ =	strace $0x80000047;
	[dreg:$0x4] =	wrdreg s10;
	s7 =	smul.u32 $0x4E2, s6  }
0xb: {  	s18 =	sshrl.u32 s16, $0x1;
	s20 =	sshrl.u32 s11, $0x2;
	s17 =	smul.u32 $0x3E80, s6  }
0xc: {  	s8 =	sadd.s32 s9, s8;
	s6 =	smul.u32 $0x7D0, s6;
	s21 =	sadd.s32 s20, s2  }
0xd: {  	s0 =	sadd.s32 s0, s5;
	s20 =	simm.s32 $0x16500;
	s8 =	sshrl.u32 s8, $0x3  }
0xe: {  	s14 =	sadd.s32 s25, s0;
	s25 =	simm.s32 $0x1B500;
	s0 =	simm.s32 $0x4  }
0xf: {  	s7 =	sadd.s32 s7, s1;
	s1 =	sadd.s32 s8, s1;
	s8 =	ssub.s32 s16, s18  }
0x10: {  	s19 =	sshrl.u32 s17, $0x3;
	s16 =	sor.u32 $0x1C0A, s26;
	s17 =	sshrl.u32 s21, $0x3  }
0x11: {  	s18 =	simm.s32 $0x16380;
	s21 =	simm.s32 $0x16400;
	s26 =	simm.s32 $0x1  }
0x12: {  	s7 =	sadd.s32 $0x1400, s7;
	s9 =	sadd.s32 s5, s19;
	s1 =	sadd.s32 $0xA9E00, s1  }
0x13: {  	s24 =	smax.u32 s8, $0x1;
	s19 =	simm.s32 $0x50;
	[dreg:$0x5] =	wrdreg s7  }
0x14: {  	s7 =	sadd.s32 s5, s6;
	s22 =	sadd.s32 $0x10, s9;
	[dreg:$0x8] =	wrdreg s1  }
0x15: {  	s23 =	sadd.s32 $0x20, s9;
	[dreg:$0x9] =	wrdreg s24;
	s1 =	simm.s32 $0x9  }
0x16: {  	s24 =	simm.s32 $0x5;
	s5 =	simm.s32 $0x6;
	[dreg:$0x6] =	wrdreg s22  }
0x17: {  	s6 =	simm.s32 $0x0;
	[dreg:$0x7] =	wrdreg s23;
	s12 =	sadd.s32 $0x7B0, s7  }
0x18: {  	s13 =	sadd.s32 $0x7C0, s7;
	s22 =	simm.s32 $0x18D00;
	s23 =	simm.s32 $0x16480  }
.LBB2_1:
0x19: {  	s8 =	rddreg [dreg:$0x5]  }
0x1a: {  	[tilespmem:s3], [sflag:$0xA] =	stream.linear.gather [hbm4b:s8+s3], $0x2710, $0x38;
	[tilespmem:$0x1DD00] =	vst v63  }
0x1b: {  	_ =	swait.ge [sflag:s15], $0x2710  }
0x1c: {  	[sflag:s15] =	ssyncset.done $0x0  }
0x1d: {  	s10 =	rddreg [dreg:$0x4];
	[sflag:s15] =	ssyncadd.s32 $0xFFFFD8F0  }
0x1e: {  	[spmem:s17], [sflag:s16] =	dma.local [hbm:s10], $0x2780  }
0x1f: {  	_ =	swait.ge [sflag:s15], $0x2780  }
0x20: {  	[sflag:s15] =	ssyncset.done $0x0  }
0x21: {  	[sflag:s15] =	ssyncadd.s32 $0xFFFFD880  }
0x22: {  	[bflag:$0x0] =	sbarrier.arrive $0xFFFF  }
0x23: {  	[tilespmem:s18], [sflag:$0x7] =	stream.linear.gather [hbm4b:s7+s3], $0x80, $0x38;
	[tilespmem:$0x1DD00] =	vst v63  }
0x24: {  	_ = 	snop  }
0x25: {  	[tilespmem:s20], [sflag:$0x1] =	stream.indirect.gather [hbm4b:s4+s19], $0x80, s3, s19, $0xb8;
	[tilespmem:$0x1DD00] =	vst v63  }
0x26: {  	s11 =	rddreg [dreg:$0x6]  }
0x27: {  	[tilespmem:s21], [sflag:$0x8] =	stream.linear.gather [hbm4b:s11+s3], $0x80, $0x38;
	[tilespmem:$0x1DD00] =	vst v63  }
0x28: {  	_ = 	snop  }
0x29: {  	[tilespmem:s22], [sflag:$0x2] =	stream.indirect.gather [hbm4b:s4+s19], $0x80, s19, s19, $0xb8;
	[tilespmem:$0x1DD00] =	vst v63  }
0x2a: {  	s9 =	rddreg [dreg:$0x7]  }
0x2b: {  	[tilespmem:s23], [sflag:$0x9] =	stream.linear.gather [hbm4b:s9+s3], $0x80, $0x38;
	[tilespmem:$0x1DD00] =	vst v63  }
0x2c: {  	s10 =	simm.s32 $0xA0  }
0x2d: {  	[tilespmem:s25], [sflag:$0x3] =	stream.indirect.gather [hbm4b:s4+s19], $0x80, s10, s19, $0xb8;
	[tilespmem:$0x1DD00] =	vst v63  }
0x2e: {  	_ =	swait.ge [sflag:s26], $0x2800  }
0x2f: {  	[sflag:s26] =	ssyncset.done $0x0  }
0x30: {  	[sflag:s26] =	ssyncadd.s32 $0xFFFFD800  }
0x31: {  	_ =	swait.ge [sflag:s28], $0x80  }
0x32: {  	[sflag:s28] =	ssyncset.done $0x0  }
0x33: {  	[sflag:s28] =	ssyncadd.s32 $0xFFFFFF80  }
0x34: {  	[spmem:s2] =	stream.indirect.scatter.add.f32 [tilespmem:s20], [sflag:$0x4], $0x80, s18, s19, $0xb8;
	[tilespmem:$0x1DD00] =	vst v63  }
0x35: {  	_ =	swait.ge [sflag:s29], $0x2800  }
0x36: {  	[sflag:s29] =	ssyncset.done $0x0  }
0x37: {  	[sflag:s29] =	ssyncadd.s32 $0xFFFFD800  }
0x38: {  	_ =	swait.ge [sflag:s30], $0x80  }
0x39: {  	[sflag:s30] =	ssyncset.done $0x0  }
0x3a: {  	[sflag:s30] =	ssyncadd.s32 $0xFFFFFF80  }
0x3b: {  	[spmem:s2] =	stream.indirect.scatter.add.f32 [tilespmem:s22], [sflag:$0x5], $0x80, s21, s19, $0xb8;
	[tilespmem:$0x1DD00] =	vst v63  }
0x3c: {  	_ =	swait.ge [sflag:s31], $0x2800  }
0x3d: {  	[sflag:s31] =	ssyncset.done $0x0  }
0x3e: {  	[sflag:s31] =	ssyncadd.s32 $0xFFFFD800  }
0x3f: {  	_ =	swait.ge [sflag:s1], $0x80  }
0x40: {  	[sflag:s1] =	ssyncset.done $0x0  }
0x41: {  	[sflag:s1] =	ssyncadd.s32 $0xFFFFFF80  }
0x42: {  	[spmem:s2] =	stream.indirect.scatter.add.f32 [tilespmem:s25], [sflag:$0x6], $0x80, s23, s19, $0xb8;
	[tilespmem:$0x1DD00] =	vst v63  }
0x43: {  	_ =	swait.ge [sflag:s0], $0x2800  }
0x44: {  	[sflag:s0] =	ssyncset.done $0x0  }
0x45: {  	s11 =	simm.s32 $0xF0;
	s9 =	sadd.s32 $0x0, s14;
	[sflag:s0] =	ssyncadd.s32 $0xFFFFD800  }
0x46: {  	[tilespmem:s20], [sflag:$0x1] =	stream.indirect.gather [hbm4b:s4+s19], $0x80, s11, s19, $0xb8;
	[tilespmem:$0x1DD00] =	vst v63  }
0x47: {  	s10 =	sadd.s32 $0x30, s9  }
0x48: {  	[tilespmem:s18], [sflag:$0x7] =	stream.linear.gather [hbm4b:s10+s3], $0x80, $0x38;
	[tilespmem:$0x1DD00] =	vst v63  }
0x49: {  	_ =	swait.ge [sflag:s24], $0x2800  }
0x4a: {  	[sflag:s24] =	ssyncset.done $0x0  }
0x4b: {  	s11 =	simm.s32 $0x140;
	[sflag:s24] =	ssyncadd.s32 $0xFFFFD800  }
0x4c: {  	[tilespmem:s22], [sflag:$0x2] =	stream.indirect.gather [hbm4b:s4+s19], $0x80, s11, s19, $0xb8;
	[tilespmem:$0x1DD00] =	vst v63  }
0x4d: {  	s10 =	sadd.s32 $0x40, s9  }
0x4e: {  	[tilespmem:s21], [sflag:$0x8] =	stream.linear.gather [hbm4b:s10+s3], $0x80, $0x38;
	[tilespmem:$0x1DD00] =	vst v63  }
0x4f: {  	_ =	swait.ge [sflag:s5], $0x2800  }
0x50: {  	s8 =	simm.s32 $0x30;
	s11 =	simm.s32 $0x190;
	[sflag:s5] =	ssyncset.done $0x0  }
0x51: {  	s10 =	sadd.s32 $0x50, s9;
	s9 =	simm.s32 $0x280;
	[sflag:s5] =	ssyncadd.s32 $0xFFFFD800  }
0x52: {  	[tilespmem:s25], [sflag:$0x3] =	stream.indirect.gather [hbm4b:s4+s19], $0x80, s11, s19, $0xb8;
	[tilespmem:$0x1DD00] =	vst v63  }
.LBB2_2:
0x53: {  	[tilespmem:s23], [sflag:$0x9] =	stream.linear.gather [hbm4b:s10+s3], $0x80, $0x38;
	[tilespmem:$0x1DD00] =	vst v63  }
0x54: {  	s10 =	smov.u32 s8  }
0x55: {  	p0 =	sne.s32 s8, $0x750;
	s8 =	sadd.s32 $0x30, s8;
	_ =	swait.ge [sflag:s26], $0x2800  }
0x56: {  	[sflag:s26] =	ssyncset.done $0x0  }
0x57: {  	[sflag:s26] =	ssyncadd.s32 $0xFFFFD800  }
0x58: {  	_ =	swait.ge [sflag:s28], $0x80  }
0x59: {  	[sflag:s28] =	ssyncset.done $0x0  }
0x5a: {  	[sflag:s28] =	ssyncadd.s32 $0xFFFFFF80  }
0x5b: {  	[spmem:s2] =	stream.indirect.scatter.add.f32 [tilespmem:s20], [sflag:$0x4], $0x80, s18, s19, $0xb8;
	[tilespmem:$0x1DD00] =	vst v63  }
0x5c: {  	_ =	swait.ge [sflag:s29], $0x2800  }
0x5d: {  	[sflag:s29] =	ssyncset.done $0x0  }
0x5e: {  	[sflag:s29] =	ssyncadd.s32 $0xFFFFD800  }
0x5f: {  	_ =	swait.ge [sflag:s30], $0x80  }
0x60: {  	[sflag:s30] =	ssyncset.done $0x0  }
0x61: {  	[sflag:s30] =	ssyncadd.s32 $0xFFFFFF80  }
0x62: {  	[spmem:s2] =	stream.indirect.scatter.add.f32 [tilespmem:s22], [sflag:$0x5], $0x80, s21, s19, $0xb8;
	[tilespmem:$0x1DD00] =	vst v63  }
0x63: {  	_ =	swait.ge [sflag:s31], $0x2800  }
0x64: {  	[sflag:s31] =	ssyncset.done $0x0  }
0x65: {  	[sflag:s31] =	ssyncadd.s32 $0xFFFFD800  }
0x66: {  	_ =	swait.ge [sflag:s1], $0x80  }
0x67: {  	[sflag:s1] =	ssyncset.done $0x0  }
0x68: {  	[sflag:s1] =	ssyncadd.s32 $0xFFFFFF80  }
0x69: {  	[spmem:s2] =	stream.indirect.scatter.add.f32 [tilespmem:s25], [sflag:$0x6], $0x80, s23, s19, $0xb8;
	[tilespmem:$0x1DD00] =	vst v63  }
0x6a: {  	_ =	swait.ge [sflag:s0], $0x2800  }
0x6b: {  	[sflag:s0] =	ssyncset.done $0x0  }
0x6c: {  	s11 =	sadd.s32 $0xFFFFFF60, s9;
	s10 =	sadd.s32 s10, s14;
	[sflag:s0] =	ssyncadd.s32 $0xFFFFD800  }
0x6d: {  	[tilespmem:s20], [sflag:$0x1] =	stream.indirect.gather [hbm4b:s4+s19], $0x80, s11, s19, $0xb8;
	[tilespmem:$0x1DD00] =	vst v63  }
0x6e: {  	s11 =	sadd.s32 $0x30, s10  }
0x6f: {  	[tilespmem:s18], [sflag:$0x7] =	stream.linear.gather [hbm4b:s11+s3], $0x80, $0x38;
	[tilespmem:$0x1DD00] =	vst v63  }
0x70: {  	_ =	swait.ge [sflag:s24], $0x2800  }
0x71: {  	[sflag:s24] =	ssyncset.done $0x0  }
0x72: {  	s11 =	sadd.s32 $0xFFFFFFB0, s9;
	[sflag:s24] =	ssyncadd.s32 $0xFFFFD800  }
0x73: {  	[tilespmem:s22], [sflag:$0x2] =	stream.indirect.gather [hbm4b:s4+s19], $0x80, s11, s19, $0xb8;
	[tilespmem:$0x1DD00] =	vst v63  }
0x74: {  	s11 =	sadd.s32 $0x40, s10  }
0x75: {  	[tilespmem:s21], [sflag:$0x8] =	stream.linear.gather [hbm4b:s11+s3], $0x80, $0x38;
	[tilespmem:$0x1DD00] =	vst v63  }
.Ltmp0:
0x76: {  	_ =	swait.ge [sflag:s5], $0x2800;
	(pc) =	sbr.rel @p0 .LBB2_2-.Ltmp0, $4  }
0x77: {  	[sflag:s5] =	ssyncset.done $0x0  }
0x78: {  	[sflag:s5] =	ssyncadd.s32 $0xFFFFD800  }
0x79: {  	[tilespmem:s25], [sflag:$0x3] =	stream.indirect.gather [hbm4b:s4+s19], $0x80, s9, s19, $0xb8;
	[tilespmem:$0x1DD00] =	vst v63  }
0x7a: {  	s10 =	sadd.s32 $0x50, s10;
	s9 =	sadd.s32 $0xF0, s9  }
0x7b: {  	[tilespmem:s23], [sflag:$0x9] =	stream.linear.gather [hbm4b:s10+s3], $0x80, $0x38;
	[tilespmem:$0x1DD00] =	vst v63  }
0x7c: {  	_ =	swait.ge [sflag:s26], $0x2800  }
0x7d: {  	[sflag:s26] =	ssyncset.done $0x0  }
0x7e: {  	[sflag:s26] =	ssyncadd.s32 $0xFFFFD800  }
0x7f: {  	_ =	swait.ge [sflag:s28], $0x80  }
0x80: {  	[sflag:s28] =	ssyncset.done $0x0  }
0x81: {  	[sflag:s28] =	ssyncadd.s32 $0xFFFFFF80  }
0x82: {  	[spmem:s2] =	stream.indirect.scatter.add.f32 [tilespmem:s20], [sflag:$0x4], $0x80, s18, s19, $0xb8;
	[tilespmem:$0x1DD00] =	vst v63  }
0x83: {  	_ =	swait.ge [sflag:s29], $0x2800  }
0x84: {  	[sflag:s29] =	ssyncset.done $0x0  }
0x85: {  	[sflag:s29] =	ssyncadd.s32 $0xFFFFD800  }
0x86: {  	_ =	swait.ge [sflag:s30], $0x80  }
0x87: {  	[sflag:s30] =	ssyncset.done $0x0  }
0x88: {  	[sflag:s30] =	ssyncadd.s32 $0xFFFFFF80  }
0x89: {  	[spmem:s2] =	stream.indirect.scatter.add.f32 [tilespmem:s22], [sflag:$0x5], $0x80, s21, s19, $0xb8;
	[tilespmem:$0x1DD00] =	vst v63  }
0x8a: {  	_ =	swait.ge [sflag:s31], $0x2800  }
0x8b: {  	[sflag:s31] =	ssyncset.done $0x0  }
0x8c: {  	[sflag:s31] =	ssyncadd.s32 $0xFFFFD800  }
0x8d: {  	_ =	swait.ge [sflag:s1], $0x80  }
0x8e: {  	[sflag:s1] =	ssyncset.done $0x0  }
0x8f: {  	[sflag:s1] =	ssyncadd.s32 $0xFFFFFF80  }
0x90: {  	[spmem:s2] =	stream.indirect.scatter.add.f32 [tilespmem:s25], [sflag:$0x6], $0x80, s23, s19, $0xb8;
	[tilespmem:$0x1DD00] =	vst v63  }
0x91: {  	_ =	swait.ge [sflag:s0], $0x2800  }
0x92: {  	[sflag:s0] =	ssyncset.done $0x0  }
0x93: {  	s8 =	simm.s32 $0x2670;
	[sflag:s0] =	ssyncadd.s32 $0xFFFFD800  }
0x94: {  	[tilespmem:s20], [sflag:$0x1] =	stream.indirect.gather [hbm4b:s4+s19], $0x80, s8, s19, $0xb8;
	[tilespmem:$0x1DD00] =	vst v63  }
0x95: {  	_ = 	snop  }
0x96: {  	[tilespmem:s18], [sflag:$0x7] =	stream.linear.gather [hbm4b:s12+s3], $0x80, $0x38;
	[tilespmem:$0x1DD00] =	vst v63  }
0x97: {  	_ =	swait.ge [sflag:s24], $0x2800  }
0x98: {  	[sflag:s24] =	ssyncset.done $0x0  }
0x99: {  	s9 =	simm.s32 $0x26C0;
	[sflag:s24] =	ssyncadd.s32 $0xFFFFD800  }
0x9a: {  	[tilespmem:s22], [sflag:$0x2] =	stream.indirect.gather [hbm4b:s4+s19], $0x80, s9, s19, $0xb8;
	[tilespmem:$0x1DD00] =	vst v63  }
0x9b: {  	_ = 	snop  }
0x9c: {  	[tilespmem:s21], [sflag:$0x8] =	stream.linear.gather [hbm4b:s13+s3], $0x80, $0x38;
	[tilespmem:$0x1DD00] =	vst v63  }
0x9d: {  	_ =	swait.ge [sflag:s5], $0x2800  }
0x9e: {  	[sflag:s5] =	ssyncset.done $0x0  }
0x9f: {  	[sflag:s5] =	ssyncadd.s32 $0xFFFFD800  }
0xa0: {  	_ =	swait.ge [sflag:s26], $0x2800  }
0xa1: {  	[sflag:s26] =	ssyncset.done $0x0  }
0xa2: {  	[sflag:s26] =	ssyncadd.s32 $0xFFFFD800  }
0xa3: {  	_ =	swait.ge [sflag:s28], $0x80  }
0xa4: {  	[sflag:s28] =	ssyncset.done $0x0  }
0xa5: {  	[sflag:s28] =	ssyncadd.s32 $0xFFFFFF80  }
0xa6: {  	[spmem:s2] =	stream.indirect.scatter.add.f32 [tilespmem:s20], [sflag:$0x4], $0x80, s18, s19, $0xb8;
	[tilespmem:$0x1DD00] =	vst v63  }
0xa7: {  	_ =	swait.ge [sflag:s29], $0x2800  }
0xa8: {  	[sflag:s29] =	ssyncset.done $0x0  }
0xa9: {  	[sflag:s29] =	ssyncadd.s32 $0xFFFFD800  }
0xaa: {  	_ =	swait.ge [sflag:s30], $0x80  }
0xab: {  	[sflag:s30] =	ssyncset.done $0x0  }
0xac: {  	[sflag:s30] =	ssyncadd.s32 $0xFFFFFF80  }
0xad: {  	[spmem:s2] =	stream.indirect.scatter.add.f32 [tilespmem:s22], [sflag:$0x5], $0x80, s21, s19, $0xb8;
	[tilespmem:$0x1DD00] =	vst v63  }
0xae: {  	_ =	swait.ge [sflag:s0], $0x2800  }
0xaf: {  	[sflag:s0] =	ssyncset.done $0x0  }
0xb0: {  	[sflag:s0] =	ssyncadd.s32 $0xFFFFD800  }
0xb1: {  	_ =	swait.ge [sflag:s24], $0x2800  }
0xb2: {  	[sflag:s24] =	ssyncset.done $0x0  }
0xb3: {  	[sflag:s24] =	ssyncadd.s32 $0xFFFFD800  }
0xb4: {  	[bflag:$0x0] =	sbarrier.arrive $0xFFFF  }
0xb5: {  	s10 =	rddreg [dreg:$0x8]  }
0xb6: {  	[hbm:s10], [sflag:s16] =	dma.local [spmem:s17], $0x2780  }
0xb7: {  	_ =	swait.ge [sflag:s15], $0x2780  }
0xb8: {  	s6 =	sadd.s32 $0x1, s6;
	s11 =	rddreg [dreg:$0x9]  }
0xb9: {  	p0 =	sne.s32 s6, s11  }
.Ltmp1:
0xba: {  	_ = 	snop;
	(pc) =	sbr.rel @p0 .LBB2_1-.Ltmp1, $3  }
0xbb: {  	_ =	sdelay $0x1  }
0xbc: {  	[sflag:s15] =	ssyncset.done $0x0  }
0xbd: {  	[sflag:s15] =	ssyncadd.s32 $0xFFFFD880  }
0xbe: {  	_ =	sfence.sel $0x180000  }
0xbf: {  	[bflag:$0x0] =	sbarrier.arrive $0xFFFF  }
0xc0: {  	_ =	strace $0x90000047  }
0xc1: {  	s0 =	stileid.u32;
	[bflag:$0x2] =	sbarrier.arrive $0xFFFF  }
0xc2: {  	p0 =	sne.s32 s0, $0x0;
	s0 =	rddreg [dreg:$0x3]  }
0xc3: {  	s0 =	sadd.s32 @!p0 $0x100000, s0  }
0xc4: {  	[sflag:s0] =	ssyncadd.tile.s32 @!p0 $0x1;
	_ =	shalt  }
.Lfunc_end2:
_tile_overlayer_lowered:
.L_overlay_start_2:
0xc5: {  	(tag) =	ssettag $0x2  }
0xc6: {  	s0 =	rddreg [dreg:$0x0];
	s2 =	stileid.u32  }
0xc7: {  	s1 =	rddreg [dreg:$0x1];
	p0 =	sne.s32 s2, $0x0  }
0xc8: {  	s3 =	rddreg [dreg:$0x2];
	[bflag:$0x3] =	sbarrier.arrive $0xFFFF;
	s2 =	simm.s32 @!p0 $0x1C0A  }
0xc9: {  	[timem:s3], [sflag:s2] =	dma.local @!p0 [hbm:s0], s1  }
0xca: {  	s0 =	simm.s32 @!p0 $0xA  }
0xcb: {  	_ =	swait.ge @!p0 [sflag:s0], s1  }
0xcc: {  	s1 =	ssub.s32 @!p0 $0x0, s1;
	[sflag:s0] =	ssyncset.done @!p0 $0x0  }
0xcd: {  	[sflag:s0] =	ssyncadd.s32 @!p0 s1  }
0xce: {  	[bflag:$0x3] =	sbarrier.arrive $0xFFFF  }
0xcf: {  	_ =	shalt  }

</sc_bundles>
